<compile_context>
chip_gen: v7x
topology: tpu7x:2x2x1
jax: 0.10.2.dev20260603
libtpu: 0.0.44.dev20260713+nightly
codegen_flags: <defaults>
</compile_context>

<pallas_src>
import functools
import jax
import jax.numpy as jnp
from jax import lax
from jax.experimental import pallas as pl
from jax.experimental.pallas import tpu as pltpu
from jax.experimental.pallas import tpu_sc as plsc

N = 10000
E = 320000
D = 128
G = 16

NC = 2
NS = 16
L = 16
NW = NC * NS

NPAD = 10240
NROWS = NPAD // L
RPT = NROWS // NS
RPW = NROWS // NW
EP = E // NW
EITER = EP // L
UNROLL = 5

_f32 = jnp.float32
_i32 = jnp.int32


def _enc_body(x_ref, w1_ref, b1_ref, wa_ref, h_ref, as_ref, ad_ref, m_ref):
    i = pl.program_id(0)
    R = x_ref.shape[0]
    h = x_ref[...] @ w1_ref[...] + b1_ref[...]
    h = jnp.where(h > 0, h, jnp.exp(jnp.minimum(h, 0.0)) - 1.0)
    rows = lax.broadcasted_iota(_i32, (R, 1), 0) + i * R
    h = jnp.where(rows < N, h, 0.0)
    h_ref[...] = h
    a = lax.dot_general(wa_ref[...], h, (((0,), (1,)), ((), ())),
                        preferred_element_type=_f32)
    as_ref[pl.ds(i * R, R)] = a[0]
    ad_ref[pl.ds(i * R, R)] = a[1]
    bm = jnp.max(a, axis=1, keepdims=True) + jnp.zeros((8, 128), _f32)

    @pl.when(i == 0)
    def _():
        m_ref[...] = bm

    @pl.when(i > 0)
    def _():
        m_ref[...] = jnp.maximum(m_ref[...], bm)


def _encode(x, w1, b1_2d, wa8):
    R = 1024
    grid = NPAD // R
    return pl.pallas_call(
        _enc_body,
        grid=(grid,),
        in_specs=[
            pl.BlockSpec((R, D), lambda i: (i, 0)),
            pl.BlockSpec((D, D), lambda i: (0, 0)),
            pl.BlockSpec((1, D), lambda i: (0, 0)),
            pl.BlockSpec((D, 8), lambda i: (0, 0)),
        ],
        out_specs=[
            pl.BlockSpec((R, D), lambda i: (i, 0)),
            pl.BlockSpec((NPAD,), lambda i: (0,)),
            pl.BlockSpec((NPAD,), lambda i: (0,)),
            pl.BlockSpec((8, 128), lambda i: (0, 0)),
        ],
        out_shape=[
            jax.ShapeDtypeStruct((NPAD, D), _f32),
            jax.ShapeDtypeStruct((NPAD,), _f32),
            jax.ShapeDtypeStruct((NPAD,), _f32),
            jax.ShapeDtypeStruct((8, 128), _f32),
        ],
    )(x, w1, b1_2d, wa8)


def _row_iota(ref):
    it = lax.iota(_i32, L)

    def body(r, c):
        ref[pl.ds(r * L, L)] = it + r * L
        return c

    lax.fori_loop(0, NROWS // L, body, 0)


def _combine_and_emit(loc, shared, idxr, chunk, out_h, cid, sid):
    pltpu.sync_copy(loc, shared.at[idxr], add=True)
    plsc.subcore_barrier()
    pltpu.sync_copy(shared.at[pl.ds(sid * RPT, RPT)], chunk)
    pltpu.sync_copy(chunk, out_h.at[cid, pl.ds(sid * RPT, RPT)])


SLL = RPW * L


def _denom_body(ei_h, asrc_h, adst_h, m_h, z_h, dpart_h, ex_h, asrc_v,
                adst_v, src_v, dst_v, m_v, loc, idxr, chunk, sem, ex_v,
                shared):
    cid = lax.axis_index("c")
    sid = lax.axis_index("s")
    wid = sid * NC + cid
    base = wid * EP
    cps = [
        pltpu.async_copy(asrc_h, asrc_v, sem),
        pltpu.async_copy(adst_h, adst_v, sem),
        pltpu.async_copy(ei_h.at[0, pl.ds(base, EP)], src_v, sem),
        pltpu.async_copy(ei_h.at[1, pl.ds(base, EP)], dst_v, sem),
        pltpu.async_copy(m_h, m_v, sem),
        pltpu.async_copy(z_h, loc, sem),
    ]

    @pl.when(sid == 0)
    def _():
        pltpu.async_copy(z_h, shared, sem).wait()

    _row_iota(idxr)
    for cp in cps:
        cp.wait()
    plsc.subcore_barrier()
    m = m_v[...]

    def estep(i, c):
        for u in range(UNROLL):
            o = (i * UNROLL + u) * L
            sv = src_v[pl.ds(o, L)]
            dv = dst_v[pl.ds(o, L)]
            a1 = plsc.load_gather(asrc_v, [sv])
            a2 = plsc.load_gather(adst_v, [dv])
            ex = jnp.exp(a1 + a2 - m)
            ex_v[pl.ds(o, L)] = ex
            rv = lax.shift_right_logical(dv, 4)
            cv = lax.bitwise_and(dv, 15)
            plsc.addupdate_scatter(loc, [rv, cv], ex)
        return c

    lax.fori_loop(0, EITER // UNROLL, estep, 0)
    exout = pltpu.async_copy(ex_v, ex_h.at[wid], sem)

    rb = (cid * NS + sid) * RPW

    def sstep(rr, c):
        r = rb + rr

        @pl.when(r < N // L)
        def _():
            ex = jnp.exp(asrc_v[pl.ds(r * L, L)]
                         + adst_v[pl.ds(r * L, L)] - m)
            loc[r] = loc[r] + ex

        return c

    lax.fori_loop(0, RPW, sstep, 0)
    exout.wait()
    _combine_and_emit(loc, shared, idxr, chunk, dpart_h, cid, sid)


def _weight_body(ei_h, asrc_h, adst_h, m_h, z_h, dpart_h, ex_h, cpart_h,
                 asl_v, adl_v, src_v, dst_v, m_v, loc, idxr, chunk, sem,
                 ex_v, d0, d1, rinv, shared):
    cid = lax.axis_index("c")
    sid = lax.axis_index("s")
    wid = sid * NC + cid
    base = wid * EP
    rb = (cid * NS + sid) * RPW
    cps = [
        pltpu.async_copy(asrc_h.at[pl.ds(rb * L, SLL)], asl_v, sem),
        pltpu.async_copy(adst_h.at[pl.ds(rb * L, SLL)], adl_v, sem),
        pltpu.async_copy(ei_h.at[0, pl.ds(base, EP)], src_v, sem),
        pltpu.async_copy(ei_h.at[1, pl.ds(base, EP)], dst_v, sem),
        pltpu.async_copy(m_h, m_v, sem),
        pltpu.async_copy(z_h, loc, sem),
        pltpu.async_copy(ex_h.at[wid], ex_v, sem),
        pltpu.async_copy(dpart_h.at[0], d0, sem),
        pltpu.async_copy(dpart_h.at[1], d1, sem),
    ]

    @pl.when(sid == 0)
    def _():
        pltpu.async_copy(z_h, shared, sem).wait()

    _row_iota(idxr)
    for cp in cps:
        cp.wait()
    plsc.subcore_barrier()
    m = m_v[...]

    def rstep(r, c):
        rinv[pl.ds(r * L, L)] = 1.0 / (d0[r] + d1[r])
        return c

    lax.fori_loop(0, NROWS, rstep, 0)

    def estep(i, c):
        for u in range(UNROLL):
            o = (i * UNROLL + u) * L
            sv = src_v[pl.ds(o, L)]
            dv = dst_v[pl.ds(o, L)]
            ex = ex_v[pl.ds(o, L)]
            ri = plsc.load_gather(rinv, [dv])
            w = ex * ri
            rv = lax.shift_right_logical(sv, 4)
            cv = lax.bitwise_and(sv, 15)
            plsc.addupdate_scatter(loc, [rv, cv], w)
        return c

    lax.fori_loop(0, EITER // UNROLL, estep, 0)

    def sstep(rr, c):
        r = rb + rr

        @pl.when(r < N // L)
        def _():
            ex = jnp.exp(asl_v[pl.ds(rr * L, L)]
                         + adl_v[pl.ds(rr * L, L)] - m)
            loc[r] = loc[r] + ex * rinv[pl.ds(r * L, L)]

        return c

    lax.fori_loop(0, RPW, sstep, 0)
    _combine_and_emit(loc, shared, idxr, chunk, cpart_h, cid, sid)


def _sc_mesh_kernel(body, out_type, extra_scratch):
    mesh = plsc.VectorSubcoreMesh(core_axis_name="c", subcore_axis_name="s")
    scratch = [
        pltpu.VMEM((EP,), _i32),
        pltpu.VMEM((EP,), _i32),
        pltpu.VMEM((L,), _f32),
        pltpu.VMEM((NROWS, L), _f32),
        pltpu.VMEM((NROWS,), _i32),
        pltpu.VMEM((RPT, L), _f32),
        pltpu.SemaphoreType.DMA,
        pltpu.VMEM((EP,), _f32),
    ] + extra_scratch + [
        pltpu.VMEM_SHARED((NROWS, L), _f32),
    ]
    return functools.partial(
        pl.kernel,
        out_type=out_type,
        mesh=mesh,
        scratch_types=scratch,
        compiler_params=pltpu.CompilerParams(needs_layout_passes=False,
                                             use_tc_tiling_on_sc=False),
    )(body)


def _sc_denom(ei, asrc, adst, m16, zeros):
    out_type = [
        jax.ShapeDtypeStruct((NC, NROWS, L), _f32),
        jax.ShapeDtypeStruct((NW, EP), _f32),
    ]
    extra = [
        pltpu.VMEM((NPAD,), _f32),
        pltpu.VMEM((NPAD,), _f32),
    ]
    def body(ei_h, asrc_h, adst_h, m_h, z_h, dpart_h, ex_h, src_v, dst_v,
             m_v, loc, idxr, chunk, sem, ex_v, asrc_v, adst_v, shared):
        _denom_body(ei_h, asrc_h, adst_h, m_h, z_h, dpart_h, ex_h, asrc_v,
                    adst_v, src_v, dst_v, m_v, loc, idxr, chunk, sem, ex_v,
                    shared)

    return _sc_mesh_kernel(body, out_type, extra)(ei, asrc, adst, m16,
                                                  zeros)


def _sc_weight(ei, asrc, adst, m16, zeros, dpart, exall):
    out_type = jax.ShapeDtypeStruct((NC, NROWS, L), _f32)
    extra = [
        pltpu.VMEM((SLL,), _f32),
        pltpu.VMEM((SLL,), _f32),
        pltpu.VMEM((NROWS, L), _f32),
        pltpu.VMEM((NROWS, L), _f32),
        pltpu.VMEM((NPAD,), _f32),
    ]

    def body(ei_h, asrc_h, adst_h, m_h, z_h, dpart_h, ex_h, cpart_h, src_v,
             dst_v, m_v, loc, idxr, chunk, sem, ex_v, asl_v, adl_v, d0, d1,
             rinv, shared):
        _weight_body(ei_h, asrc_h, adst_h, m_h, z_h, dpart_h, ex_h, cpart_h,
                     asl_v, adl_v, src_v, dst_v, m_v, loc, idxr, chunk, sem,
                     ex_v, d0, d1, rinv, shared)

    return _sc_mesh_kernel(body, out_type, extra)(ei, asrc, adst, m16,
                                                  zeros, dpart, exall)


def _out_body(c_ref, h_ref, g_ref, wo1_ref, wo2_ref, bo_ref, o_ref, acc):
    i = pl.program_id(0)

    @pl.when(i == 0)
    def _():
        acc[...] = jnp.zeros_like(acc)

    R = h_ref.shape[0]
    c = c_ref[:, pl.ds(i * R, R)]
    acc[...] += lax.dot_general(c, h_ref[...], (((1,), (0,)), ((), ())),
                                preferred_element_type=_f32)

    @pl.when(i == pl.num_programs(0) - 1)
    def _():
        pooled = (acc[0:1, :] + acc[1:2, :]) * (1.0 / N)
        o_ref[...] = (pooled @ wo1_ref[...] + g_ref[...] @ wo2_ref[...]
                      + bo_ref[...])


def _reduce_out(c2, hidden, g_2d, wo1, wo2, bo_2d):
    R = 1024
    grid = NPAD // R
    return pl.pallas_call(
        _out_body,
        grid=(grid,),
        in_specs=[
            pl.BlockSpec((2, NPAD), lambda i: (0, 0)),
            pl.BlockSpec((R, D), lambda i: (i, 0)),
            pl.BlockSpec((1, G), lambda i: (0, 0)),
            pl.BlockSpec((D, D), lambda i: (0, 0)),
            pl.BlockSpec((G, D), lambda i: (0, 0)),
            pl.BlockSpec((1, D), lambda i: (0, 0)),
        ],
        out_specs=pl.BlockSpec((1, D), lambda i: (0, 0)),
        out_shape=jax.ShapeDtypeStruct((1, D), _f32),
        scratch_shapes=[pltpu.VMEM((2, D), _f32)],
    )(c2, hidden, g_2d, wo1, wo2, bo_2d)


def kernel(node_features, edge_index, global_features, W1, b1, Wa, ba, Wo,
           bo):
    wa8 = jnp.zeros((D, 8), _f32)
    wa8 = wa8.at[:, 0].set(Wa[:D, 0]).at[:, 1].set(Wa[D:, 0])
    hidden, asrc, adst, mmax = _encode(node_features, W1, b1.reshape(1, D),
                                       wa8)
    m16 = jnp.full((L,), mmax[0, 0] + mmax[1, 0], _f32)
    zeros = jnp.zeros((NROWS, L), _f32)

    dpart, exall = _sc_denom(edge_index, asrc, adst, m16, zeros)
    cpart = _sc_weight(edge_index, asrc, adst, m16, zeros, dpart, exall)

    out = _reduce_out(cpart.reshape(NC, NPAD), hidden,
                      global_features.reshape(1, G), Wo[:D], Wo[D:],
                      bo.reshape(1, D))
    return out.reshape(D)

# --- scband reference (transcript-rebuilt; emitter-appended) ---
"""Pipeline reference for scband-graph-attention-encoder-22247930593628 (READ-ONLY COPY).

The authoritative reference and input builder live on the scoring server;
editing this copy changes nothing except your own understanding.
"""

import jax, jax.numpy as jnp
import numpy as np

N = 10000
E = 320000
D_IN = 128
D_H = 128
D_OUT = 128
G_DIM = 16


def setup_inputs(seed: int = 0) -> dict:
    key = jax.random.key(seed)
    ks = jax.random.split(key, 9)
    node_features = jax.random.normal(ks[0], (N, D_IN), dtype=jnp.float32)
    edge_index = jax.random.randint(ks[1], (2, E), 0, N, dtype=jnp.int32)
    global_features = jax.random.normal(ks[2], (G_DIM,), dtype=jnp.float32)
    W1 = jax.random.normal(ks[3], (D_IN, D_H), dtype=jnp.float32) * 0.05
    b1 = jnp.zeros((D_H,), dtype=jnp.float32)
    Wa = jax.random.normal(ks[4], (2 * D_H, 1), dtype=jnp.float32) * 0.05
    ba = jnp.zeros((1,), dtype=jnp.float32)
    Wo = jax.random.normal(ks[5], (D_H + G_DIM, D_OUT), dtype=jnp.float32) * 0.05
    bo = jnp.zeros((D_OUT,), dtype=jnp.float32)
    return {
        "node_features": node_features,
        "edge_index": edge_index,
        "global_features": global_features,
        "W1": W1, "b1": b1,
        "Wa": Wa, "ba": ba,
        "Wo": Wo, "bo": bo,
    }


def reference(node_features, edge_index, global_features, W1, b1, Wa, ba, Wo, bo):
    # hidden = ELU(Linear(node_features))
    hidden = jax.nn.elu(node_features @ W1 + b1)
    n = hidden.shape[0]
    # add self loops (edge_index is non-empty in this config)
    self_loop = jnp.arange(n, dtype=edge_index.dtype)
    src = jnp.concatenate([edge_index[0], self_loop], axis=0)
    dst = jnp.concatenate([edge_index[1], self_loop], axis=0)
    # attention scores per edge
    edge_feat = jnp.concatenate([hidden[src], hidden[dst]], axis=-1)
    edge_score = (edge_feat @ Wa + ba).squeeze(-1)
    # per-dst-node softmax over incoming edges (vectorized equivalent of the
    # original per-node python loop; every node has >=1 edge via self loops)
    seg_max = jax.lax.stop_gradient(jax.ops.segment_max(edge_score, dst, num_segments=n))
    ex = jnp.exp(edge_score - seg_max[dst])
    denom = jax.ops.segment_sum(ex, dst, num_segments=n)
    attn = ex / denom[dst]
    # weighted message aggregation (index_add_)
    messages = hidden[src] * attn[:, None]
    aggregated = jax.ops.segment_sum(messages, dst, num_segments=n)
    pooled = aggregated.mean(axis=0)
    return jnp.concatenate([pooled, global_features], axis=0) @ Wo + bo

if __name__ == "__main__":
    import jax
    _d = setup_inputs()
    print(jax.jit(kernel)(*tuple(_d.values())))

</pallas_src>

<mosaic_0001>
#map = affine_map<(d0, d1) -> (0, 0)>
#map1 = affine_map<(d0, d1) -> (0)>
#map2 = affine_map<(d0, d1) -> (0, 0, 0)>
module attributes {stable_mosaic.version = 14 : i64} {
  func.func @body(%arg0: i32, %arg1: i32, %arg2: memref<2x320000xi32, #tpu.memory_space<hbm>>, %arg3: memref<10240xf32, #tpu.memory_space<hbm>>, %arg4: memref<10240xf32, #tpu.memory_space<hbm>>, %arg5: memref<16xf32, #tpu.memory_space<hbm>>, %arg6: memref<640x16xf32, #tpu.memory_space<hbm>>, %arg7: memref<2x640x16xf32, #tpu.memory_space<hbm>>, %arg8: memref<32x10000xf32, #tpu.memory_space<hbm>>, %arg9: memref<2x640x16xf32, #tpu.memory_space<hbm>>, %arg10: memref<10000xi32, #tpu.memory_space<vmem>>, %arg11: memref<10000xi32, #tpu.memory_space<vmem>>, %arg12: memref<16xf32, #tpu.memory_space<vmem>>, %arg13: memref<640x16xf32, #tpu.memory_space<vmem>>, %arg14: memref<640xi32, #tpu.memory_space<vmem>>, %arg15: memref<40x16xf32, #tpu.memory_space<vmem>>, %arg16: memref<!tpu.dma_semaphore, #tpu.memory_space<semaphore_mem>>, %arg17: memref<10000xf32, #tpu.memory_space<vmem>>, %arg18: memref<320xf32, #tpu.memory_space<vmem>>, %arg19: memref<320xf32, #tpu.memory_space<vmem>>, %arg20: memref<640x16xf32, #tpu.memory_space<vmem>>, %arg21: memref<640x16xf32, #tpu.memory_space<vmem>>, %arg22: memref<10240xf32, #tpu.memory_space<vmem>>, %arg23: memref<640x16xf32, #tpu.memory_space<vmem_shared>>) attributes {dimension_semantics = [#tpu.dimension_semantics<core_parallel>, #tpu.dimension_semantics<subcore_parallel>], iteration_bounds = array<i64: 2, 16>, scalar_prefetch = 0 : i64, scratch_operands = 14 : i64, tpu.core_type = #tpu.core_type<sc_vector_subcore>, window_params = [{transform_indices = #map}, {transform_indices = #map1}, {transform_indices = #map1}, {transform_indices = #map1}, {transform_indices = #map}, {transform_indices = #map2}, {transform_indices = #map}, {transform_indices = #map2}]} {
    %mul3A = arith.constant 2 : i32
    %mul3A_0 = arith.muli %arg1, %mul3A : i32
    %add3A = arith.addi %mul3A_0, %arg0 : i32
    %mul3A_1 = arith.constant 10000 : i32
    %mul3A_2 = arith.muli %add3A, %mul3A_1 : i32
    %mul3A_3 = arith.constant 16 : i32
    %mul3A_4 = arith.muli %arg0, %mul3A_3 : i32
    %add3A_5 = arith.addi %mul3A_4, %arg1 : i32
    %mul3A_6 = arith.constant 20 : i32
    %mul3A_7 = arith.muli %add3A_5, %mul3A_6 : i32
    %mul3A_8 = arith.constant 16 : i32
    %mul3A_9 = arith.muli %mul3A_7, %mul3A_8 : i32
    %dma_start3A = tpu.memref_slice %arg3[%mul3A_9] : memref<10240xf32, #tpu.memory_space<hbm>> -> memref<320xf32, #tpu.memory_space<hbm>>
    %dma_start3A_10 = tpu.memref_slice %arg3[%mul3A_9] : memref<10240xf32, #tpu.memory_space<hbm>> -> memref<320xf32, #tpu.memory_space<hbm>>
    tpu.enqueue_dma source(%dma_start3A_10 : memref<320xf32, #tpu.memory_space<hbm>>) target(%arg18 : memref<320xf32, #tpu.memory_space<vmem>>) target_semaphore(%arg16 : memref<!tpu.dma_semaphore, #tpu.memory_space<semaphore_mem>>)
    %mul3A_11 = arith.constant 16 : i32
    %mul3A_12 = arith.muli %mul3A_7, %mul3A_11 : i32
    %dma_start3A_13 = tpu.memref_slice %arg4[%mul3A_12] : memref<10240xf32, #tpu.memory_space<hbm>> -> memref<320xf32, #tpu.memory_space<hbm>>
    %dma_start3A_14 = tpu.memref_slice %arg4[%mul3A_12] : memref<10240xf32, #tpu.memory_space<hbm>> -> memref<320xf32, #tpu.memory_space<hbm>>
    tpu.enqueue_dma source(%dma_start3A_14 : memref<320xf32, #tpu.memory_space<hbm>>) target(%arg19 : memref<320xf32, #tpu.memory_space<vmem>>) target_semaphore(%arg16 : memref<!tpu.dma_semaphore, #tpu.memory_space<semaphore_mem>>)
    %dma_start3A_15 = arith.constant 0 : i32
    %dma_start3A_16 = tpu.memref_slice %arg2[%dma_start3A_15, %mul3A_2] : memref<2x320000xi32, #tpu.memory_space<hbm>> -> memref<1x10000xi32, #tpu.memory_space<hbm>>
    %dma_start3A_17 = tpu.memref_squeeze %dma_start3A_16 : memref<1x10000xi32, #tpu.memory_space<hbm>> -> memref<10000xi32, #tpu.memory_space<hbm>>
    %dma_start3A_18 = tpu.memref_slice %arg2[%dma_start3A_15, %mul3A_2] : memref<2x320000xi32, #tpu.memory_space<hbm>> -> memref<1x10000xi32, #tpu.memory_space<hbm>>
    %dma_start3A_19 = tpu.memref_squeeze %dma_start3A_18 : memref<1x10000xi32, #tpu.memory_space<hbm>> -> memref<10000xi32, #tpu.memory_space<hbm>>
    tpu.enqueue_dma source(%dma_start3A_19 : memref<10000xi32, #tpu.memory_space<hbm>>) target(%arg10 : memref<10000xi32, #tpu.memory_space<vmem>>) target_semaphore(%arg16 : memref<!tpu.dma_semaphore, #tpu.memory_space<semaphore_mem>>)
    %dma_start3A_20 = arith.constant 1 : i32
    %dma_start3A_21 = tpu.memref_slice %arg2[%dma_start3A_20, %mul3A_2] : memref<2x320000xi32, #tpu.memory_space<hbm>> -> memref<1x10000xi32, #tpu.memory_space<hbm>>
    %dma_start3A_22 = tpu.memref_squeeze %dma_start3A_21 : memref<1x10000xi32, #tpu.memory_space<hbm>> -> memref<10000xi32, #tpu.memory_space<hbm>>
    %dma_start3A_23 = tpu.memref_slice %arg2[%dma_start3A_20, %mul3A_2] : memref<2x320000xi32, #tpu.memory_space<hbm>> -> memref<1x10000xi32, #tpu.memory_space<hbm>>
    %dma_start3A_24 = tpu.memref_squeeze %dma_start3A_23 : memref<1x10000xi32, #tpu.memory_space<hbm>> -> memref<10000xi32, #tpu.memory_space<hbm>>
    tpu.enqueue_dma source(%dma_start3A_24 : memref<10000xi32, #tpu.memory_space<hbm>>) target(%arg11 : memref<10000xi32, #tpu.memory_space<vmem>>) target_semaphore(%arg16 : memref<!tpu.dma_semaphore, #tpu.memory_space<semaphore_mem>>)
    tpu.enqueue_dma source(%arg5 : memref<16xf32, #tpu.memory_space<hbm>>) target(%arg12 : memref<16xf32, #tpu.memory_space<vmem>>) target_semaphore(%arg16 : memref<!tpu.dma_semaphore, #tpu.memory_space<semaphore_mem>>)
    tpu.enqueue_dma source(%arg6 : memref<640x16xf32, #tpu.memory_space<hbm>>) target(%arg13 : memref<640x16xf32, #tpu.memory_space<vmem>>) target_semaphore(%arg16 : memref<!tpu.dma_semaphore, #tpu.memory_space<semaphore_mem>>)
    %dma_start3A_25 = arith.constant 0 : i32
    %dma_start3A_26 = tpu.memref_slice %arg8[%add3A, %dma_start3A_25] : memref<32x10000xf32, #tpu.memory_space<hbm>> -> memref<1x10000xf32, #tpu.memory_space<hbm>>
    %dma_start3A_27 = tpu.memref_squeeze %dma_start3A_26 : memref<1x10000xf32, #tpu.memory_space<hbm>> -> memref<10000xf32, #tpu.memory_space<hbm>>
    %dma_start3A_28 = arith.constant 0 : i32
    %dma_start3A_29 = tpu.memref_slice %arg8[%add3A, %dma_start3A_28] : memref<32x10000xf32, #tpu.memory_space<hbm>> -> memref<1x10000xf32, #tpu.memory_space<hbm>>
    %dma_start3A_30 = tpu.memref_squeeze %dma_start3A_29 : memref<1x10000xf32, #tpu.memory_space<hbm>> -> memref<10000xf32, #tpu.memory_space<hbm>>
    tpu.enqueue_dma source(%dma_start3A_30 : memref<10000xf32, #tpu.memory_space<hbm>>) target(%arg17 : memref<10000xf32, #tpu.memory_space<vmem>>) target_semaphore(%arg16 : memref<!tpu.dma_semaphore, #tpu.memory_space<semaphore_mem>>)
    %dma_start3A_31 = arith.constant 0 : i32
    %dma_start3A_32 = arith.constant 0 : i32
    %dma_start3A_33 = arith.constant 0 : i32
    %dma_start3A_34 = tpu.memref_slice %arg7[%dma_start3A_31, %dma_start3A_32, %dma_start3A_33] : memref<2x640x16xf32, #tpu.memory_space<hbm>> -> memref<1x640x16xf32, #tpu.memory_space<hbm>>
    %dma_start3A_35 = tpu.memref_squeeze %dma_start3A_34 : memref<1x640x16xf32, #tpu.memory_space<hbm>> -> memref<640x16xf32, #tpu.memory_space<hbm>>
    %dma_start3A_36 = arith.constant 0 : i32
    %dma_start3A_37 = arith.constant 0 : i32
    %dma_start3A_38 = tpu.memref_slice %arg7[%dma_start3A_31, %dma_start3A_36, %dma_start3A_37] : memref<2x640x16xf32, #tpu.memory_space<hbm>> -> memref<1x640x16xf32, #tpu.memory_space<hbm>>
    %dma_start3A_39 = tpu.memref_squeeze %dma_start3A_38 : memref<1x640x16xf32, #tpu.memory_space<hbm>> -> memref<640x16xf32, #tpu.memory_space<hbm>>
    tpu.enqueue_dma source(%dma_start3A_39 : memref<640x16xf32, #tpu.memory_space<hbm>>) target(%arg20 : memref<640x16xf32, #tpu.memory_space<vmem>>) target_semaphore(%arg16 : memref<!tpu.dma_semaphore, #tpu.memory_space<semaphore_mem>>)
    %dma_start3A_40 = arith.constant 1 : i32
    %dma_start3A_41 = arith.constant 0 : i32
    %dma_start3A_42 = arith.constant 0 : i32
    %dma_start3A_43 = tpu.memref_slice %arg7[%dma_start3A_40, %dma_start3A_41, %dma_start3A_42] : memref<2x640x16xf32, #tpu.memory_space<hbm>> -> memref<1x640x16xf32, #tpu.memory_space<hbm>>
    %dma_start3A_44 = tpu.memref_squeeze %dma_start3A_43 : memref<1x640x16xf32, #tpu.memory_space<hbm>> -> memref<640x16xf32, #tpu.memory_space<hbm>>
    %dma_start3A_45 = arith.constant 0 : i32
    %dma_start3A_46 = arith.constant 0 : i32
    %dma_start3A_47 = tpu.memref_slice %arg7[%dma_start3A_40, %dma_start3A_45, %dma_start3A_46] : memref<2x640x16xf32, #tpu.memory_space<hbm>> -> memref<1x640x16xf32, #tpu.memory_space<hbm>>
    %dma_start3A_48 = tpu.memref_squeeze %dma_start3A_47 : memref<1x640x16xf32, #tpu.memory_space<hbm>> -> memref<640x16xf32, #tpu.memory_space<hbm>>
    tpu.enqueue_dma source(%dma_start3A_48 : memref<640x16xf32, #tpu.memory_space<hbm>>) target(%arg21 : memref<640x16xf32, #tpu.memory_space<vmem>>) target_semaphore(%arg16 : memref<!tpu.dma_semaphore, #tpu.memory_space<semaphore_mem>>)
    %eq3A = arith.constant 0 : i32
    %eq3A_49 = arith.cmpi eq, %arg1, %eq3A : i32
    %convert_element_type3A = arith.extui %eq3A_49 : i1 to i32
    %cond3A = arith.constant 0 : i32
    %cond3A_50 = arith.cmpi ne, %convert_element_type3A, %cond3A : i32
    scf.if %cond3A_50 {
      tpu.enqueue_dma source(%arg6 : memref<640x16xf32, #tpu.memory_space<hbm>>) target(%arg23 : memref<640x16xf32, #tpu.memory_space<vmem_shared>>) target_semaphore(%arg16 : memref<!tpu.dma_semaphore, #tpu.memory_space<semaphore_mem>>)
      tpu.wait_dma2 semaphore(%arg16 : memref<!tpu.dma_semaphore, #tpu.memory_space<semaphore_mem>>) src(%arg6 : memref<640x16xf32, #tpu.memory_space<hbm>>) dst(%arg23 : memref<640x16xf32, #tpu.memory_space<vmem_shared>>)
    } else {
    }
    %iota3A = tpu.iota {dimensions = array<i32: 0>} : vector<16xi32>
    %scan3A = arith.constant 0 : i32
    %scan3A_51 = arith.constant 0 : i32
    %scan3A_52 = arith.constant 40 : i32
    %scan3A_53 = arith.addi %scan3A_51, %scan3A_52 : i32
    %scan3A_54 = arith.constant 1 : i32
    scf.for %scan3A_117 = %scan3A_51 to %scan3A_53 step %scan3A_54  : i32 {
      %mul3A_118 = arith.constant 16 : i32
      %mul3A_119 = arith.muli %scan3A_117, %mul3A_118 : i32
      %add3A_120 = vector.broadcast %mul3A_119 : i32 to vector<16xi32>
      %add3A_121 = arith.addi %iota3A, %add3A_120 : vector<16xi32>
      %mul3A_122 = arith.constant 16 : i32
      %mul3A_123 = arith.muli %scan3A_117, %mul3A_122 : i32
      %swap3A = arith.index_cast %mul3A_123 : i32 to index
      %swap3A_124 = tpu.vector_load %arg14[%swap3A] {strides = array<i32>} : memref<640xi32, #tpu.memory_space<vmem>>, vector<16xi32>,
      tpu.vector_store %arg14[%swap3A], %add3A_121 {strides = array<i32>} : memref<640xi32, #tpu.memory_space<vmem>>, vector<16xi32>,
    }
    %scan3A_55 = arith.constant 40 : i32
    %dma_wait3A = tpu.memref_slice %arg3[%mul3A_9] : memref<10240xf32, #tpu.memory_space<hbm>> -> memref<320xf32, #tpu.memory_space<hbm>>
    %dma_wait3A_56 = tpu.memref_slice %arg3[%mul3A_9] : memref<10240xf32, #tpu.memory_space<hbm>> -> memref<320xf32, #tpu.memory_space<hbm>>
    tpu.wait_dma2 semaphore(%arg16 : memref<!tpu.dma_semaphore, #tpu.memory_space<semaphore_mem>>) src(%dma_wait3A_56 : memref<320xf32, #tpu.memory_space<hbm>>) dst(%arg18 : memref<320xf32, #tpu.memory_space<vmem>>)
    %dma_wait3A_57 = tpu.memref_slice %arg4[%mul3A_12] : memref<10240xf32, #tpu.memory_space<hbm>> -> memref<320xf32, #tpu.memory_space<hbm>>
    %dma_wait3A_58 = tpu.memref_slice %arg4[%mul3A_12] : memref<10240xf32, #tpu.memory_space<hbm>> -> memref<320xf32, #tpu.memory_space<hbm>>
    tpu.wait_dma2 semaphore(%arg16 : memref<!tpu.dma_semaphore, #tpu.memory_space<semaphore_mem>>) src(%dma_wait3A_58 : memref<320xf32, #tpu.memory_space<hbm>>) dst(%arg19 : memref<320xf32, #tpu.memory_space<vmem>>)
    %dma_wait3A_59 = arith.constant 0 : i32
    %dma_wait3A_60 = tpu.memref_slice %arg2[%dma_wait3A_59, %mul3A_2] : memref<2x320000xi32, #tpu.memory_space<hbm>> -> memref<1x10000xi32, #tpu.memory_space<hbm>>
    %dma_wait3A_61 = tpu.memref_squeeze %dma_wait3A_60 : memref<1x10000xi32, #tpu.memory_space<hbm>> -> memref<10000xi32, #tpu.memory_space<hbm>>
    %dma_wait3A_62 = tpu.memref_slice %arg2[%dma_wait3A_59, %mul3A_2] : memref<2x320000xi32, #tpu.memory_space<hbm>> -> memref<1x10000xi32, #tpu.memory_space<hbm>>
    %dma_wait3A_63 = tpu.memref_squeeze %dma_wait3A_62 : memref<1x10000xi32, #tpu.memory_space<hbm>> -> memref<10000xi32, #tpu.memory_space<hbm>>
    tpu.wait_dma2 semaphore(%arg16 : memref<!tpu.dma_semaphore, #tpu.memory_space<semaphore_mem>>) src(%dma_wait3A_63 : memref<10000xi32, #tpu.memory_space<hbm>>) dst(%arg10 : memref<10000xi32, #tpu.memory_space<vmem>>)
    %dma_wait3A_64 = arith.constant 1 : i32
    %dma_wait3A_65 = tpu.memref_slice %arg2[%dma_wait3A_64, %mul3A_2] : memref<2x320000xi32, #tpu.memory_space<hbm>> -> memref<1x10000xi32, #tpu.memory_space<hbm>>
    %dma_wait3A_66 = tpu.memref_squeeze %dma_wait3A_65 : memref<1x10000xi32, #tpu.memory_space<hbm>> -> memref<10000xi32, #tpu.memory_space<hbm>>
    %dma_wait3A_67 = tpu.memref_slice %arg2[%dma_wait3A_64, %mul3A_2] : memref<2x320000xi32, #tpu.memory_space<hbm>> -> memref<1x10000xi32, #tpu.memory_space<hbm>>
    %dma_wait3A_68 = tpu.memref_squeeze %dma_wait3A_67 : memref<1x10000xi32, #tpu.memory_space<hbm>> -> memref<10000xi32, #tpu.memory_space<hbm>>
    tpu.wait_dma2 semaphore(%arg16 : memref<!tpu.dma_semaphore, #tpu.memory_space<semaphore_mem>>) src(%dma_wait3A_68 : memref<10000xi32, #tpu.memory_space<hbm>>) dst(%arg11 : memref<10000xi32, #tpu.memory_space<vmem>>)
    tpu.wait_dma2 semaphore(%arg16 : memref<!tpu.dma_semaphore, #tpu.memory_space<semaphore_mem>>) src(%arg5 : memref<16xf32, #tpu.memory_space<hbm>>) dst(%arg12 : memref<16xf32, #tpu.memory_space<vmem>>)
    tpu.wait_dma2 semaphore(%arg16 : memref<!tpu.dma_semaphore, #tpu.memory_space<semaphore_mem>>) src(%arg6 : memref<640x16xf32, #tpu.memory_space<hbm>>) dst(%arg13 : memref<640x16xf32, #tpu.memory_space<vmem>>)
    %dma_wait3A_69 = arith.constant 0 : i32
    %dma_wait3A_70 = tpu.memref_slice %arg8[%add3A, %dma_wait3A_69] : memref<32x10000xf32, #tpu.memory_space<hbm>> -> memref<1x10000xf32, #tpu.memory_space<hbm>>
    %dma_wait3A_71 = tpu.memref_squeeze %dma_wait3A_70 : memref<1x10000xf32, #tpu.memory_space<hbm>> -> memref<10000xf32, #tpu.memory_space<hbm>>
    %dma_wait3A_72 = arith.constant 0 : i32
    %dma_wait3A_73 = tpu.memref_slice %arg8[%add3A, %dma_wait3A_72] : memref<32x10000xf32, #tpu.memory_space<hbm>> -> memref<1x10000xf32, #tpu.memory_space<hbm>>
    %dma_wait3A_74 = tpu.memref_squeeze %dma_wait3A_73 : memref<1x10000xf32, #tpu.memory_space<hbm>> -> memref<10000xf32, #tpu.memory_space<hbm>>
    tpu.wait_dma2 semaphore(%arg16 : memref<!tpu.dma_semaphore, #tpu.memory_space<semaphore_mem>>) src(%dma_wait3A_74 : memref<10000xf32, #tpu.memory_space<hbm>>) dst(%arg17 : memref<10000xf32, #tpu.memory_space<vmem>>)
    %dma_wait3A_75 = arith.constant 0 : i32
    %dma_wait3A_76 = arith.constant 0 : i32
    %dma_wait3A_77 = arith.constant 0 : i32
    %dma_wait3A_78 = tpu.memref_slice %arg7[%dma_wait3A_75, %dma_wait3A_76, %dma_wait3A_77] : memref<2x640x16xf32, #tpu.memory_space<hbm>> -> memref<1x640x16xf32, #tpu.memory_space<hbm>>
    %dma_wait3A_79 = tpu.memref_squeeze %dma_wait3A_78 : memref<1x640x16xf32, #tpu.memory_space<hbm>> -> memref<640x16xf32, #tpu.memory_space<hbm>>
    %dma_wait3A_80 = arith.constant 0 : i32
    %dma_wait3A_81 = arith.constant 0 : i32
    %dma_wait3A_82 = tpu.memref_slice %arg7[%dma_wait3A_75, %dma_wait3A_80, %dma_wait3A_81] : memref<2x640x16xf32, #tpu.memory_space<hbm>> -> memref<1x640x16xf32, #tpu.memory_space<hbm>>
    %dma_wait3A_83 = tpu.memref_squeeze %dma_wait3A_82 : memref<1x640x16xf32, #tpu.memory_space<hbm>> -> memref<640x16xf32, #tpu.memory_space<hbm>>
    tpu.wait_dma2 semaphore(%arg16 : memref<!tpu.dma_semaphore, #tpu.memory_space<semaphore_mem>>) src(%dma_wait3A_83 : memref<640x16xf32, #tpu.memory_space<hbm>>) dst(%arg20 : memref<640x16xf32, #tpu.memory_space<vmem>>)
    %dma_wait3A_84 = arith.constant 1 : i32
    %dma_wait3A_85 = arith.constant 0 : i32
    %dma_wait3A_86 = arith.constant 0 : i32
    %dma_wait3A_87 = tpu.memref_slice %arg7[%dma_wait3A_84, %dma_wait3A_85, %dma_wait3A_86] : memref<2x640x16xf32, #tpu.memory_space<hbm>> -> memref<1x640x16xf32, #tpu.memory_space<hbm>>
    %dma_wait3A_88 = tpu.memref_squeeze %dma_wait3A_87 : memref<1x640x16xf32, #tpu.memory_space<hbm>> -> memref<640x16xf32, #tpu.memory_space<hbm>>
    %dma_wait3A_89 = arith.constant 0 : i32
    %dma_wait3A_90 = arith.constant 0 : i32
    %dma_wait3A_91 = tpu.memref_slice %arg7[%dma_wait3A_84, %dma_wait3A_89, %dma_wait3A_90] : memref<2x640x16xf32, #tpu.memory_space<hbm>> -> memref<1x640x16xf32, #tpu.memory_space<hbm>>
    %dma_wait3A_92 = tpu.memref_squeeze %dma_wait3A_91 : memref<1x640x16xf32, #tpu.memory_space<hbm>> -> memref<640x16xf32, #tpu.memory_space<hbm>>
    tpu.wait_dma2 semaphore(%arg16 : memref<!tpu.dma_semaphore, #tpu.memory_space<semaphore_mem>>) src(%dma_wait3A_92 : memref<640x16xf32, #tpu.memory_space<hbm>>) dst(%arg21 : memref<640x16xf32, #tpu.memory_space<vmem>>)
    %barrier3A = arith.constant 0 : index
    tpu.barrier barrier_id(%barrier3A)
    %get3A = arith.constant 0 : index
    %get3A_93 = tpu.vector_load %arg12[%get3A] {strides = array<i32>} : memref<16xf32, #tpu.memory_space<vmem>>, vector<16xf32>,
    %scan3A_94 = arith.constant 0 : i32
    %scan3A_95 = arith.constant 0 : i32
    %scan3A_96 = arith.constant 640 : i32
    %scan3A_97 = arith.addi %scan3A_95, %scan3A_96 : i32
    %scan3A_98 = arith.constant 1 : i32
    scf.for %scan3A_117 = %scan3A_95 to %scan3A_97 step %scan3A_98  : i32 {
      %get3A_118 = arith.index_cast %scan3A_117 : i32 to index
      %get3A_119 = arith.constant 0 : index
      %get3A_120 = tpu.vector_load %arg20[%get3A_118, %get3A_119] {strides = array<i32>} : memref<640x16xf32, #tpu.memory_space<vmem>>, vector<16xf32>,
      %get3A_121 = arith.index_cast %scan3A_117 : i32 to index
      %get3A_122 = arith.constant 0 : index
      %get3A_123 = tpu.vector_load %arg21[%get3A_121, %get3A_122] {strides = array<i32>} : memref<640x16xf32, #tpu.memory_space<vmem>>, vector<16xf32>,
      %add3A_124 = arith.addf %get3A_120, %get3A_123 : vector<16xf32>
      %div3A = arith.constant 1.000000e+00 : f32
      %div3A_125 = vector.broadcast %div3A : f32 to vector<16xf32>
      %div3A_126 = arith.divf %div3A_125, %add3A_124 : vector<16xf32>
      %mul3A_127 = arith.constant 16 : i32
      %mul3A_128 = arith.muli %scan3A_117, %mul3A_127 : i32
      %swap3A = arith.index_cast %mul3A_128 : i32 to index
      %swap3A_129 = tpu.vector_load %arg22[%swap3A] {strides = array<i32>} : memref<10240xf32, #tpu.memory_space<vmem>>, vector<16xf32>,
      tpu.vector_store %arg22[%swap3A], %div3A_126 {strides = array<i32>} : memref<10240xf32, #tpu.memory_space<vmem>>, vector<16xf32>,
    }
    %scan3A_99 = arith.constant 640 : i32
    %scan3A_100 = arith.constant 0 : i32
    %scan3A_101 = arith.constant 0 : i32
    %scan3A_102 = arith.constant 125 : i32
    %scan3A_103 = arith.addi %scan3A_101, %scan3A_102 : i32
    %scan3A_104 = arith.constant 1 : i32
    scf.for %scan3A_117 = %scan3A_101 to %scan3A_103 step %scan3A_104  : i32 {
      %mul3A_118 = arith.constant 5 : i32
      %mul3A_119 = arith.muli %scan3A_117, %mul3A_118 : i32
      %add3A_120 = arith.constant 0 : i32
      %add3A_121 = arith.addi %mul3A_119, %add3A_120 : i32
      %mul3A_122 = arith.constant 16 : i32
      %mul3A_123 = arith.muli %add3A_121, %mul3A_122 : i32
      %get3A_124 = arith.index_cast %mul3A_123 : i32 to index
      %get3A_125 = tpu.vector_load %arg10[%get3A_124] {strides = array<i32>} : memref<10000xi32, #tpu.memory_space<vmem>>, vector<16xi32>,
      %get3A_126 = arith.index_cast %mul3A_123 : i32 to index
      %get3A_127 = tpu.vector_load %arg11[%get3A_126] {strides = array<i32>} : memref<10000xi32, #tpu.memory_space<vmem>>, vector<16xi32>,
      %get3A_128 = arith.index_cast %mul3A_123 : i32 to index
      %get3A_129 = tpu.vector_load %arg17[%get3A_128] {strides = array<i32>} : memref<10000xf32, #tpu.memory_space<vmem>>, vector<16xf32>,
      %gather3A = tpu.vector_load_idx %arg22[%get3A_127] : memref<10240xf32, #tpu.memory_space<vmem>>[vector<16xi32>], vector<16xf32>,
      %mul3A_130 = arith.mulf %get3A_129, %gather3A : vector<16xf32>
      %shift_right_logical3A = arith.constant 4 : i32
      %shift_right_logical3A_131 = vector.broadcast %shift_right_logical3A : i32 to vector<16xi32>
      %shift_right_logical3A_132 = arith.shrui %get3A_125, %shift_right_logical3A_131 : vector<16xi32>
      %and3A = arith.constant 15 : i32
      %and3A_133 = vector.broadcast %and3A : i32 to vector<16xi32>
      %and3A_134 = arith.andi %get3A_125, %and3A_133 : vector<16xi32>
      tpu.vector_store_idx %arg13[%shift_right_logical3A_132, %and3A_134], %mul3A_130 {add = true} : memref<640x16xf32, #tpu.memory_space<vmem>>[vector<16xi32>, vector<16xi32>], vector<16xf32>,
      %mul3A_135 = arith.constant 5 : i32
      %mul3A_136 = arith.muli %scan3A_117, %mul3A_135 : i32
      %add3A_137 = arith.constant 1 : i32
      %add3A_138 = arith.addi %mul3A_136, %add3A_137 : i32
      %mul3A_139 = arith.constant 16 : i32
      %mul3A_140 = arith.muli %add3A_138, %mul3A_139 : i32
      %get3A_141 = arith.index_cast %mul3A_140 : i32 to index
      %get3A_142 = tpu.vector_load %arg10[%get3A_141] {strides = array<i32>} : memref<10000xi32, #tpu.memory_space<vmem>>, vector<16xi32>,
      %get3A_143 = arith.index_cast %mul3A_140 : i32 to index
      %get3A_144 = tpu.vector_load %arg11[%get3A_143] {strides = array<i32>} : memref<10000xi32, #tpu.memory_space<vmem>>, vector<16xi32>,
      %get3A_145 = arith.index_cast %mul3A_140 : i32 to index
      %get3A_146 = tpu.vector_load %arg17[%get3A_145] {strides = array<i32>} : memref<10000xf32, #tpu.memory_space<vmem>>, vector<16xf32>,
      %gather3A_147 = tpu.vector_load_idx %arg22[%get3A_144] : memref<10240xf32, #tpu.memory_space<vmem>>[vector<16xi32>], vector<16xf32>,
      %mul3A_148 = arith.mulf %get3A_146, %gather3A_147 : vector<16xf32>
      %shift_right_logical3A_149 = arith.constant 4 : i32
      %shift_right_logical3A_150 = vector.broadcast %shift_right_logical3A_149 : i32 to vector<16xi32>
      %shift_right_logical3A_151 = arith.shrui %get3A_142, %shift_right_logical3A_150 : vector<16xi32>
      %and3A_152 = arith.constant 15 : i32
      %and3A_153 = vector.broadcast %and3A_152 : i32 to vector<16xi32>
      %and3A_154 = arith.andi %get3A_142, %and3A_153 : vector<16xi32>
      tpu.vector_store_idx %arg13[%shift_right_logical3A_151, %and3A_154], %mul3A_148 {add = true} : memref<640x16xf32, #tpu.memory_space<vmem>>[vector<16xi32>, vector<16xi32>], vector<16xf32>,
      %mul3A_155 = arith.constant 5 : i32
      %mul3A_156 = arith.muli %scan3A_117, %mul3A_155 : i32
      %add3A_157 = arith.constant 2 : i32
      %add3A_158 = arith.addi %mul3A_156, %add3A_157 : i32
      %mul3A_159 = arith.constant 16 : i32
      %mul3A_160 = arith.muli %add3A_158, %mul3A_159 : i32
      %get3A_161 = arith.index_cast %mul3A_160 : i32 to index
      %get3A_162 = tpu.vector_load %arg10[%get3A_161] {strides = array<i32>} : memref<10000xi32, #tpu.memory_space<vmem>>, vector<16xi32>,
      %get3A_163 = arith.index_cast %mul3A_160 : i32 to index
      %get3A_164 = tpu.vector_load %arg11[%get3A_163] {strides = array<i32>} : memref<10000xi32, #tpu.memory_space<vmem>>, vector<16xi32>,
      %get3A_165 = arith.index_cast %mul3A_160 : i32 to index
      %get3A_166 = tpu.vector_load %arg17[%get3A_165] {strides = array<i32>} : memref<10000xf32, #tpu.memory_space<vmem>>, vector<16xf32>,
      %gather3A_167 = tpu.vector_load_idx %arg22[%get3A_164] : memref<10240xf32, #tpu.memory_space<vmem>>[vector<16xi32>], vector<16xf32>,
      %mul3A_168 = arith.mulf %get3A_166, %gather3A_167 : vector<16xf32>
      %shift_right_logical3A_169 = arith.constant 4 : i32
      %shift_right_logical3A_170 = vector.broadcast %shift_right_logical3A_169 : i32 to vector<16xi32>
      %shift_right_logical3A_171 = arith.shrui %get3A_162, %shift_right_logical3A_170 : vector<16xi32>
      %and3A_172 = arith.constant 15 : i32
      %and3A_173 = vector.broadcast %and3A_172 : i32 to vector<16xi32>
      %and3A_174 = arith.andi %get3A_162, %and3A_173 : vector<16xi32>
      tpu.vector_store_idx %arg13[%shift_right_logical3A_171, %and3A_174], %mul3A_168 {add = true} : memref<640x16xf32, #tpu.memory_space<vmem>>[vector<16xi32>, vector<16xi32>], vector<16xf32>,
      %mul3A_175 = arith.constant 5 : i32
      %mul3A_176 = arith.muli %scan3A_117, %mul3A_175 : i32
      %add3A_177 = arith.constant 3 : i32
      %add3A_178 = arith.addi %mul3A_176, %add3A_177 : i32
      %mul3A_179 = arith.constant 16 : i32
      %mul3A_180 = arith.muli %add3A_178, %mul3A_179 : i32
      %get3A_181 = arith.index_cast %mul3A_180 : i32 to index
      %get3A_182 = tpu.vector_load %arg10[%get3A_181] {strides = array<i32>} : memref<10000xi32, #tpu.memory_space<vmem>>, vector<16xi32>,
      %get3A_183 = arith.index_cast %mul3A_180 : i32 to index
      %get3A_184 = tpu.vector_load %arg11[%get3A_183] {strides = array<i32>} : memref<10000xi32, #tpu.memory_space<vmem>>, vector<16xi32>,
      %get3A_185 = arith.index_cast %mul3A_180 : i32 to index
      %get3A_186 = tpu.vector_load %arg17[%get3A_185] {strides = array<i32>} : memref<10000xf32, #tpu.memory_space<vmem>>, vector<16xf32>,
      %gather3A_187 = tpu.vector_load_idx %arg22[%get3A_184] : memref<10240xf32, #tpu.memory_space<vmem>>[vector<16xi32>], vector<16xf32>,
      %mul3A_188 = arith.mulf %get3A_186, %gather3A_187 : vector<16xf32>
      %shift_right_logical3A_189 = arith.constant 4 : i32
      %shift_right_logical3A_190 = vector.broadcast %shift_right_logical3A_189 : i32 to vector<16xi32>
      %shift_right_logical3A_191 = arith.shrui %get3A_182, %shift_right_logical3A_190 : vector<16xi32>
      %and3A_192 = arith.constant 15 : i32
      %and3A_193 = vector.broadcast %and3A_192 : i32 to vector<16xi32>
      %and3A_194 = arith.andi %get3A_182, %and3A_193 : vector<16xi32>
      tpu.vector_store_idx %arg13[%shift_right_logical3A_191, %and3A_194], %mul3A_188 {add = true} : memref<640x16xf32, #tpu.memory_space<vmem>>[vector<16xi32>, vector<16xi32>], vector<16xf32>,
      %mul3A_195 = arith.constant 5 : i32
      %mul3A_196 = arith.muli %scan3A_117, %mul3A_195 : i32
      %add3A_197 = arith.constant 4 : i32
      %add3A_198 = arith.addi %mul3A_196, %add3A_197 : i32
      %mul3A_199 = arith.constant 16 : i32
      %mul3A_200 = arith.muli %add3A_198, %mul3A_199 : i32
      %get3A_201 = arith.index_cast %mul3A_200 : i32 to index
      %get3A_202 = tpu.vector_load %arg10[%get3A_201] {strides = array<i32>} : memref<10000xi32, #tpu.memory_space<vmem>>, vector<16xi32>,
      %get3A_203 = arith.index_cast %mul3A_200 : i32 to index
      %get3A_204 = tpu.vector_load %arg11[%get3A_203] {strides = array<i32>} : memref<10000xi32, #tpu.memory_space<vmem>>, vector<16xi32>,
      %get3A_205 = arith.index_cast %mul3A_200 : i32 to index
      %get3A_206 = tpu.vector_load %arg17[%get3A_205] {strides = array<i32>} : memref<10000xf32, #tpu.memory_space<vmem>>, vector<16xf32>,
      %gather3A_207 = tpu.vector_load_idx %arg22[%get3A_204] : memref<10240xf32, #tpu.memory_space<vmem>>[vector<16xi32>], vector<16xf32>,
      %mul3A_208 = arith.mulf %get3A_206, %gather3A_207 : vector<16xf32>
      %shift_right_logical3A_209 = arith.constant 4 : i32
      %shift_right_logical3A_210 = vector.broadcast %shift_right_logical3A_209 : i32 to vector<16xi32>
      %shift_right_logical3A_211 = arith.shrui %get3A_202, %shift_right_logical3A_210 : vector<16xi32>
      %and3A_212 = arith.constant 15 : i32
      %and3A_213 = vector.broadcast %and3A_212 : i32 to vector<16xi32>
      %and3A_214 = arith.andi %get3A_202, %and3A_213 : vector<16xi32>
      tpu.vector_store_idx %arg13[%shift_right_logical3A_211, %and3A_214], %mul3A_208 {add = true} : memref<640x16xf32, #tpu.memory_space<vmem>>[vector<16xi32>, vector<16xi32>], vector<16xf32>,
    }
    %scan3A_105 = arith.constant 125 : i32
    %scan3A_106 = arith.constant 0 : i32
    %scan3A_107 = arith.constant 0 : i32
    %scan3A_108 = arith.constant 20 : i32
    %scan3A_109 = arith.addi %scan3A_107, %scan3A_108 : i32
    %scan3A_110 = arith.constant 1 : i32
    scf.for %scan3A_117 = %scan3A_107 to %scan3A_109 step %scan3A_110  : i32 {
      %add3A_118 = arith.addi %mul3A_7, %scan3A_117 : i32
      %lt3A = arith.constant 625 : i32
      %lt3A_119 = arith.cmpi slt, %add3A_118, %lt3A : i32
      %convert_element_type3A_120 = arith.extui %lt3A_119 : i1 to i32
      %cond3A_121 = arith.constant 0 : i32
      %cond3A_122 = arith.cmpi ne, %convert_element_type3A_120, %cond3A_121 : i32
      scf.if %cond3A_122 {
        %mul3A_123 = arith.constant 16 : i32
        %mul3A_124 = arith.muli %scan3A_117, %mul3A_123 : i32
        %get3A_125 = arith.index_cast %mul3A_124 : i32 to index
        %get3A_126 = tpu.vector_load %arg18[%get3A_125] {strides = array<i32>} : memref<320xf32, #tpu.memory_space<vmem>>, vector<16xf32>,
        %mul3A_127 = arith.constant 16 : i32
        %mul3A_128 = arith.muli %scan3A_117, %mul3A_127 : i32
        %get3A_129 = arith.index_cast %mul3A_128 : i32 to index
        %get3A_130 = tpu.vector_load %arg19[%get3A_129] {strides = array<i32>} : memref<320xf32, #tpu.memory_space<vmem>>, vector<16xf32>,
        %add3A_131 = arith.addf %get3A_126, %get3A_130 : vector<16xf32>
        %sub3A = arith.subf %add3A_131, %get3A_93 : vector<16xf32>
        %exp3A = math.exp %sub3A : vector<16xf32>
        %get3A_132 = arith.index_cast %add3A_118 : i32 to index
        %get3A_133 = arith.constant 0 : index
        %get3A_134 = tpu.vector_load %arg13[%get3A_132, %get3A_133] {strides = array<i32>} : memref<640x16xf32, #tpu.memory_space<vmem>>, vector<16xf32>,
        %mul3A_135 = arith.constant 16 : i32
        %mul3A_136 = arith.muli %add3A_118, %mul3A_135 : i32
        %get3A_137 = arith.index_cast %mul3A_136 : i32 to index
        %get3A_138 = tpu.vector_load %arg22[%get3A_137] {strides = array<i32>} : memref<10240xf32, #tpu.memory_space<vmem>>, vector<16xf32>,
        %mul3A_139 = arith.mulf %exp3A, %get3A_138 : vector<16xf32>
        %add3A_140 = arith.addf %get3A_134, %mul3A_139 : vector<16xf32>
        %swap3A = arith.index_cast %add3A_118 : i32 to index
        %swap3A_141 = arith.constant 0 : index
        %swap3A_142 = tpu.vector_load %arg13[%swap3A, %swap3A_141] {strides = array<i32>} : memref<640x16xf32, #tpu.memory_space<vmem>>, vector<16xf32>,
        tpu.vector_store %arg13[%swap3A, %swap3A_141], %add3A_140 {strides = array<i32>} : memref<640x16xf32, #tpu.memory_space<vmem>>, vector<16xf32>,
      } else {
      }
    }
    %scan3A_111 = arith.constant 20 : i32
    "tpu.region"() ({
      %run_scoped3A = tpu.sem_alloc : memref<!tpu.dma_semaphore, #tpu.memory_space<semaphore_mem>>
      %dma_start3A_117 = arith.constant 0 : i32
      %dma_start3A_118 = arith.constant 0 : i32
      %dma_start3A_119 = tpu.memref_slice %arg23[%dma_start3A_117, %dma_start3A_118] : memref<640x16xf32, #tpu.memory_space<vmem_shared>> -> memref<640x16xf32, #tpu.memory_space<vmem_shared>>
      tpu.enqueue_indirect_dma source(%arg13 : memref<640x16xf32, #tpu.memory_space<vmem>>) target(%dma_start3A_119 : memref<640x16xf32, #tpu.memory_space<vmem_shared>>) offsets(%arg14 : memref<640xi32, #tpu.memory_space<vmem>>) semaphore(%run_scoped3A : memref<!tpu.dma_semaphore, #tpu.memory_space<semaphore_mem>>) {add = true}
      %dma_wait3A_120 = arith.constant 0 : i32
      %dma_wait3A_121 = arith.constant 0 : i32
      %dma_wait3A_122 = tpu.memref_slice %arg23[%dma_wait3A_120, %dma_wait3A_121] : memref<640x16xf32, #tpu.memory_space<vmem_shared>> -> memref<640x16xf32, #tpu.memory_space<vmem_shared>>
      tpu.wait_indirect_dma semaphore(%run_scoped3A : memref<!tpu.dma_semaphore, #tpu.memory_space<semaphore_mem>>) src(%arg13 : memref<640x16xf32, #tpu.memory_space<vmem>>) dst(%dma_wait3A_122 : memref<640x16xf32, #tpu.memory_space<vmem_shared>>)
      tpu.yield
    }) : () -> ()
    %barrier3A_112 = arith.constant 0 : index
    tpu.barrier barrier_id(%barrier3A_112)
    %mul3A_113 = arith.constant 40 : i32
    %mul3A_114 = arith.muli %arg1, %mul3A_113 : i32
    "tpu.region"() ({
      %run_scoped3A = tpu.sem_alloc : memref<!tpu.dma_semaphore, #tpu.memory_space<semaphore_mem>>
      %dma_start3A_117 = arith.constant 0 : i32
      %dma_start3A_118 = tpu.memref_slice %arg23[%mul3A_114, %dma_start3A_117] : memref<640x16xf32, #tpu.memory_space<vmem_shared>> -> memref<40x16xf32, #tpu.memory_space<vmem_shared>>
      %dma_start3A_119 = arith.constant 0 : i32
      %dma_start3A_120 = tpu.memref_slice %arg23[%mul3A_114, %dma_start3A_119] : memref<640x16xf32, #tpu.memory_space<vmem_shared>> -> memref<40x16xf32, #tpu.memory_space<vmem_shared>>
      tpu.enqueue_dma source(%dma_start3A_120 : memref<40x16xf32, #tpu.memory_space<vmem_shared>>) target(%arg15 : memref<40x16xf32, #tpu.memory_space<vmem>>) target_semaphore(%run_scoped3A : memref<!tpu.dma_semaphore, #tpu.memory_space<semaphore_mem>>)
      %dma_wait3A_121 = arith.constant 0 : i32
      %dma_wait3A_122 = tpu.memref_slice %arg23[%mul3A_114, %dma_wait3A_121] : memref<640x16xf32, #tpu.memory_space<vmem_shared>> -> memref<40x16xf32, #tpu.memory_space<vmem_shared>>
      %dma_wait3A_123 = arith.constant 0 : i32
      %dma_wait3A_124 = tpu.memref_slice %arg23[%mul3A_114, %dma_wait3A_123] : memref<640x16xf32, #tpu.memory_space<vmem_shared>> -> memref<40x16xf32, #tpu.memory_space<vmem_shared>>
      tpu.wait_dma2 semaphore(%run_scoped3A : memref<!tpu.dma_semaphore, #tpu.memory_space<semaphore_mem>>) src(%dma_wait3A_124 : memref<40x16xf32, #tpu.memory_space<vmem_shared>>) dst(%arg15 : memref<40x16xf32, #tpu.memory_space<vmem>>)
      tpu.yield
    }) : () -> ()
    %mul3A_115 = arith.constant 40 : i32
    %mul3A_116 = arith.muli %arg1, %mul3A_115 : i32
    "tpu.region"() ({
      %run_scoped3A = tpu.sem_alloc : memref<!tpu.dma_semaphore, #tpu.memory_space<semaphore_mem>>
      %dma_start3A_117 = arith.constant 0 : i32
      %dma_start3A_118 = tpu.memref_slice %arg9[%arg0, %mul3A_116, %dma_start3A_117] : memref<2x640x16xf32, #tpu.memory_space<hbm>> -> memref<1x40x16xf32, #tpu.memory_space<hbm>>
      %dma_start3A_119 = tpu.memref_squeeze %dma_start3A_118 : memref<1x40x16xf32, #tpu.memory_space<hbm>> -> memref<40x16xf32, #tpu.memory_space<hbm>>
      %dma_start3A_120 = arith.constant 0 : i32
      %dma_start3A_121 = tpu.memref_slice %arg9[%arg0, %mul3A_116, %dma_start3A_120] : memref<2x640x16xf32, #tpu.memory_space<hbm>> -> memref<1x40x16xf32, #tpu.memory_space<hbm>>
      %dma_start3A_122 = tpu.memref_squeeze %dma_start3A_121 : memref<1x40x16xf32, #tpu.memory_space<hbm>> -> memref<40x16xf32, #tpu.memory_space<hbm>>
      tpu.enqueue_dma source(%arg15 : memref<40x16xf32, #tpu.memory_space<vmem>>) target(%dma_start3A_122 : memref<40x16xf32, #tpu.memory_space<hbm>>) target_semaphore(%run_scoped3A : memref<!tpu.dma_semaphore, #tpu.memory_space<semaphore_mem>>)
      %dma_wait3A_123 = arith.constant 0 : i32
      %dma_wait3A_124 = tpu.memref_slice %arg9[%arg0, %mul3A_116, %dma_wait3A_123] : memref<2x640x16xf32, #tpu.memory_space<hbm>> -> memref<1x40x16xf32, #tpu.memory_space<hbm>>
      %dma_wait3A_125 = tpu.memref_squeeze %dma_wait3A_124 : memref<1x40x16xf32, #tpu.memory_space<hbm>> -> memref<40x16xf32, #tpu.memory_space<hbm>>
      %dma_wait3A_126 = arith.constant 0 : i32
      %dma_wait3A_127 = tpu.memref_slice %arg9[%arg0, %mul3A_116, %dma_wait3A_126] : memref<2x640x16xf32, #tpu.memory_space<hbm>> -> memref<1x40x16xf32, #tpu.memory_space<hbm>>
      %dma_wait3A_128 = tpu.memref_squeeze %dma_wait3A_127 : memref<1x40x16xf32, #tpu.memory_space<hbm>> -> memref<40x16xf32, #tpu.memory_space<hbm>>
      tpu.wait_dma2 semaphore(%run_scoped3A : memref<!tpu.dma_semaphore, #tpu.memory_space<semaphore_mem>>) src(%arg15 : memref<40x16xf32, #tpu.memory_space<vmem>>) dst(%dma_wait3A_128 : memref<40x16xf32, #tpu.memory_space<hbm>>)
      tpu.yield
    }) : () -> ()
    return
  }
}

#map = affine_map<(d0, d1) -> (0, 0)>
#map1 = affine_map<(d0, d1) -> (0)>
#map2 = affine_map<(d0, d1) -> (0, 0, 0)>
module attributes {stable_mosaic.version = 14 : i64} {
  func.func @body(%arg0: i32, %arg1: i32, %arg2: memref<2x320000xi32, #tpu.memory_space<hbm>>, %arg3: memref<10240xf32, #tpu.memory_space<hbm>>, %arg4: memref<10240xf32, #tpu.memory_space<hbm>>, %arg5: memref<16xf32, #tpu.memory_space<hbm>>, %arg6: memref<640x16xf32, #tpu.memory_space<hbm>>, %arg7: memref<2x640x16xf32, #tpu.memory_space<hbm>>, %arg8: memref<32x10000xf32, #tpu.memory_space<hbm>>, %arg9: memref<10000xi32, #tpu.memory_space<vmem>>, %arg10: memref<10000xi32, #tpu.memory_space<vmem>>, %arg11: memref<16xf32, #tpu.memory_space<vmem>>, %arg12: memref<640x16xf32, #tpu.memory_space<vmem>>, %arg13: memref<640xi32, #tpu.memory_space<vmem>>, %arg14: memref<40x16xf32, #tpu.memory_space<vmem>>, %arg15: memref<!tpu.dma_semaphore, #tpu.memory_space<semaphore_mem>>, %arg16: memref<10000xf32, #tpu.memory_space<vmem>>, %arg17: memref<10240xf32, #tpu.memory_space<vmem>>, %arg18: memref<10240xf32, #tpu.memory_space<vmem>>, %arg19: memref<640x16xf32, #tpu.memory_space<vmem_shared>>) attributes {dimension_semantics = [#tpu.dimension_semantics<core_parallel>, #tpu.dimension_semantics<subcore_parallel>], iteration_bounds = array<i64: 2, 16>, scalar_prefetch = 0 : i64, scratch_operands = 11 : i64, tpu.core_type = #tpu.core_type<sc_vector_subcore>, window_params = [{transform_indices = #map}, {transform_indices = #map1}, {transform_indices = #map1}, {transform_indices = #map1}, {transform_indices = #map}, {transform_indices = #map2}, {transform_indices = #map}]} {
    %mul3A = arith.constant 2 : i32
    %mul3A_0 = arith.muli %arg1, %mul3A : i32
    %add3A = arith.addi %mul3A_0, %arg0 : i32
    %mul3A_1 = arith.constant 10000 : i32
    %mul3A_2 = arith.muli %add3A, %mul3A_1 : i32
    tpu.enqueue_dma source(%arg3 : memref<10240xf32, #tpu.memory_space<hbm>>) target(%arg17 : memref<10240xf32, #tpu.memory_space<vmem>>) target_semaphore(%arg15 : memref<!tpu.dma_semaphore, #tpu.memory_space<semaphore_mem>>)
    tpu.enqueue_dma source(%arg4 : memref<10240xf32, #tpu.memory_space<hbm>>) target(%arg18 : memref<10240xf32, #tpu.memory_space<vmem>>) target_semaphore(%arg15 : memref<!tpu.dma_semaphore, #tpu.memory_space<semaphore_mem>>)
    %dma_start3A = arith.constant 0 : i32
    %dma_start3A_3 = tpu.memref_slice %arg2[%dma_start3A, %mul3A_2] : memref<2x320000xi32, #tpu.memory_space<hbm>> -> memref<1x10000xi32, #tpu.memory_space<hbm>>
    %dma_start3A_4 = tpu.memref_squeeze %dma_start3A_3 : memref<1x10000xi32, #tpu.memory_space<hbm>> -> memref<10000xi32, #tpu.memory_space<hbm>>
    %dma_start3A_5 = tpu.memref_slice %arg2[%dma_start3A, %mul3A_2] : memref<2x320000xi32, #tpu.memory_space<hbm>> -> memref<1x10000xi32, #tpu.memory_space<hbm>>
    %dma_start3A_6 = tpu.memref_squeeze %dma_start3A_5 : memref<1x10000xi32, #tpu.memory_space<hbm>> -> memref<10000xi32, #tpu.memory_space<hbm>>
    tpu.enqueue_dma source(%dma_start3A_6 : memref<10000xi32, #tpu.memory_space<hbm>>) target(%arg9 : memref<10000xi32, #tpu.memory_space<vmem>>) target_semaphore(%arg15 : memref<!tpu.dma_semaphore, #tpu.memory_space<semaphore_mem>>)
    %dma_start3A_7 = arith.constant 1 : i32
    %dma_start3A_8 = tpu.memref_slice %arg2[%dma_start3A_7, %mul3A_2] : memref<2x320000xi32, #tpu.memory_space<hbm>> -> memref<1x10000xi32, #tpu.memory_space<hbm>>
    %dma_start3A_9 = tpu.memref_squeeze %dma_start3A_8 : memref<1x10000xi32, #tpu.memory_space<hbm>> -> memref<10000xi32, #tpu.memory_space<hbm>>
    %dma_start3A_10 = tpu.memref_slice %arg2[%dma_start3A_7, %mul3A_2] : memref<2x320000xi32, #tpu.memory_space<hbm>> -> memref<1x10000xi32, #tpu.memory_space<hbm>>
    %dma_start3A_11 = tpu.memref_squeeze %dma_start3A_10 : memref<1x10000xi32, #tpu.memory_space<hbm>> -> memref<10000xi32, #tpu.memory_space<hbm>>
    tpu.enqueue_dma source(%dma_start3A_11 : memref<10000xi32, #tpu.memory_space<hbm>>) target(%arg10 : memref<10000xi32, #tpu.memory_space<vmem>>) target_semaphore(%arg15 : memref<!tpu.dma_semaphore, #tpu.memory_space<semaphore_mem>>)
    tpu.enqueue_dma source(%arg5 : memref<16xf32, #tpu.memory_space<hbm>>) target(%arg11 : memref<16xf32, #tpu.memory_space<vmem>>) target_semaphore(%arg15 : memref<!tpu.dma_semaphore, #tpu.memory_space<semaphore_mem>>)
    tpu.enqueue_dma source(%arg6 : memref<640x16xf32, #tpu.memory_space<hbm>>) target(%arg12 : memref<640x16xf32, #tpu.memory_space<vmem>>) target_semaphore(%arg15 : memref<!tpu.dma_semaphore, #tpu.memory_space<semaphore_mem>>)
    %eq3A = arith.constant 0 : i32
    %eq3A_12 = arith.cmpi eq, %arg1, %eq3A : i32
    %convert_element_type3A = arith.extui %eq3A_12 : i1 to i32
    %cond3A = arith.constant 0 : i32
    %cond3A_13 = arith.cmpi ne, %convert_element_type3A, %cond3A : i32
    scf.if %cond3A_13 {
      tpu.enqueue_dma source(%arg6 : memref<640x16xf32, #tpu.memory_space<hbm>>) target(%arg19 : memref<640x16xf32, #tpu.memory_space<vmem_shared>>) target_semaphore(%arg15 : memref<!tpu.dma_semaphore, #tpu.memory_space<semaphore_mem>>)
      tpu.wait_dma2 semaphore(%arg15 : memref<!tpu.dma_semaphore, #tpu.memory_space<semaphore_mem>>) src(%arg6 : memref<640x16xf32, #tpu.memory_space<hbm>>) dst(%arg19 : memref<640x16xf32, #tpu.memory_space<vmem_shared>>)
    } else {
    }
    %iota3A = tpu.iota {dimensions = array<i32: 0>} : vector<16xi32>
    %scan3A = arith.constant 0 : i32
    %scan3A_14 = arith.constant 0 : i32
    %scan3A_15 = arith.constant 40 : i32
    %scan3A_16 = arith.addi %scan3A_14, %scan3A_15 : i32
    %scan3A_17 = arith.constant 1 : i32
    scf.for %scan3A_63 = %scan3A_14 to %scan3A_16 step %scan3A_17  : i32 {
      %mul3A_64 = arith.constant 16 : i32
      %mul3A_65 = arith.muli %scan3A_63, %mul3A_64 : i32
      %add3A_66 = vector.broadcast %mul3A_65 : i32 to vector<16xi32>
      %add3A_67 = arith.addi %iota3A, %add3A_66 : vector<16xi32>
      %mul3A_68 = arith.constant 16 : i32
      %mul3A_69 = arith.muli %scan3A_63, %mul3A_68 : i32
      %swap3A = arith.index_cast %mul3A_69 : i32 to index
      %swap3A_70 = tpu.vector_load %arg13[%swap3A] {strides = array<i32>} : memref<640xi32, #tpu.memory_space<vmem>>, vector<16xi32>,
      tpu.vector_store %arg13[%swap3A], %add3A_67 {strides = array<i32>} : memref<640xi32, #tpu.memory_space<vmem>>, vector<16xi32>,
    }
    %scan3A_18 = arith.constant 40 : i32
    tpu.wait_dma2 semaphore(%arg15 : memref<!tpu.dma_semaphore, #tpu.memory_space<semaphore_mem>>) src(%arg3 : memref<10240xf32, #tpu.memory_space<hbm>>) dst(%arg17 : memref<10240xf32, #tpu.memory_space<vmem>>)
    tpu.wait_dma2 semaphore(%arg15 : memref<!tpu.dma_semaphore, #tpu.memory_space<semaphore_mem>>) src(%arg4 : memref<10240xf32, #tpu.memory_space<hbm>>) dst(%arg18 : memref<10240xf32, #tpu.memory_space<vmem>>)
    %dma_wait3A = arith.constant 0 : i32
    %dma_wait3A_19 = tpu.memref_slice %arg2[%dma_wait3A, %mul3A_2] : memref<2x320000xi32, #tpu.memory_space<hbm>> -> memref<1x10000xi32, #tpu.memory_space<hbm>>
    %dma_wait3A_20 = tpu.memref_squeeze %dma_wait3A_19 : memref<1x10000xi32, #tpu.memory_space<hbm>> -> memref<10000xi32, #tpu.memory_space<hbm>>
    %dma_wait3A_21 = tpu.memref_slice %arg2[%dma_wait3A, %mul3A_2] : memref<2x320000xi32, #tpu.memory_space<hbm>> -> memref<1x10000xi32, #tpu.memory_space<hbm>>
    %dma_wait3A_22 = tpu.memref_squeeze %dma_wait3A_21 : memref<1x10000xi32, #tpu.memory_space<hbm>> -> memref<10000xi32, #tpu.memory_space<hbm>>
    tpu.wait_dma2 semaphore(%arg15 : memref<!tpu.dma_semaphore, #tpu.memory_space<semaphore_mem>>) src(%dma_wait3A_22 : memref<10000xi32, #tpu.memory_space<hbm>>) dst(%arg9 : memref<10000xi32, #tpu.memory_space<vmem>>)
    %dma_wait3A_23 = arith.constant 1 : i32
    %dma_wait3A_24 = tpu.memref_slice %arg2[%dma_wait3A_23, %mul3A_2] : memref<2x320000xi32, #tpu.memory_space<hbm>> -> memref<1x10000xi32, #tpu.memory_space<hbm>>
    %dma_wait3A_25 = tpu.memref_squeeze %dma_wait3A_24 : memref<1x10000xi32, #tpu.memory_space<hbm>> -> memref<10000xi32, #tpu.memory_space<hbm>>
    %dma_wait3A_26 = tpu.memref_slice %arg2[%dma_wait3A_23, %mul3A_2] : memref<2x320000xi32, #tpu.memory_space<hbm>> -> memref<1x10000xi32, #tpu.memory_space<hbm>>
    %dma_wait3A_27 = tpu.memref_squeeze %dma_wait3A_26 : memref<1x10000xi32, #tpu.memory_space<hbm>> -> memref<10000xi32, #tpu.memory_space<hbm>>
    tpu.wait_dma2 semaphore(%arg15 : memref<!tpu.dma_semaphore, #tpu.memory_space<semaphore_mem>>) src(%dma_wait3A_27 : memref<10000xi32, #tpu.memory_space<hbm>>) dst(%arg10 : memref<10000xi32, #tpu.memory_space<vmem>>)
    tpu.wait_dma2 semaphore(%arg15 : memref<!tpu.dma_semaphore, #tpu.memory_space<semaphore_mem>>) src(%arg5 : memref<16xf32, #tpu.memory_space<hbm>>) dst(%arg11 : memref<16xf32, #tpu.memory_space<vmem>>)
    tpu.wait_dma2 semaphore(%arg15 : memref<!tpu.dma_semaphore, #tpu.memory_space<semaphore_mem>>) src(%arg6 : memref<640x16xf32, #tpu.memory_space<hbm>>) dst(%arg12 : memref<640x16xf32, #tpu.memory_space<vmem>>)
    %barrier3A = arith.constant 0 : index
    tpu.barrier barrier_id(%barrier3A)
    %get3A = arith.constant 0 : index
    %get3A_28 = tpu.vector_load %arg11[%get3A] {strides = array<i32>} : memref<16xf32, #tpu.memory_space<vmem>>, vector<16xf32>,
    %scan3A_29 = arith.constant 0 : i32
    %scan3A_30 = arith.constant 0 : i32
    %scan3A_31 = arith.constant 125 : i32
    %scan3A_32 = arith.addi %scan3A_30, %scan3A_31 : i32
    %scan3A_33 = arith.constant 1 : i32
    scf.for %scan3A_63 = %scan3A_30 to %scan3A_32 step %scan3A_33  : i32 {
      %mul3A_64 = arith.constant 5 : i32
      %mul3A_65 = arith.muli %scan3A_63, %mul3A_64 : i32
      %add3A_66 = arith.constant 0 : i32
      %add3A_67 = arith.addi %mul3A_65, %add3A_66 : i32
      %mul3A_68 = arith.constant 16 : i32
      %mul3A_69 = arith.muli %add3A_67, %mul3A_68 : i32
      %get3A_70 = arith.index_cast %mul3A_69 : i32 to index
      %get3A_71 = tpu.vector_load %arg9[%get3A_70] {strides = array<i32>} : memref<10000xi32, #tpu.memory_space<vmem>>, vector<16xi32>,
      %get3A_72 = arith.index_cast %mul3A_69 : i32 to index
      %get3A_73 = tpu.vector_load %arg10[%get3A_72] {strides = array<i32>} : memref<10000xi32, #tpu.memory_space<vmem>>, vector<16xi32>,
      %gather3A = tpu.vector_load_idx %arg17[%get3A_71] : memref<10240xf32, #tpu.memory_space<vmem>>[vector<16xi32>], vector<16xf32>,
      %gather3A_74 = tpu.vector_load_idx %arg18[%get3A_73] : memref<10240xf32, #tpu.memory_space<vmem>>[vector<16xi32>], vector<16xf32>,
      %add3A_75 = arith.addf %gather3A, %gather3A_74 : vector<16xf32>
      %sub3A = arith.subf %add3A_75, %get3A_28 : vector<16xf32>
      %exp3A = math.exp %sub3A : vector<16xf32>
      %swap3A = arith.index_cast %mul3A_69 : i32 to index
      %swap3A_76 = tpu.vector_load %arg16[%swap3A] {strides = array<i32>} : memref<10000xf32, #tpu.memory_space<vmem>>, vector<16xf32>,
      tpu.vector_store %arg16[%swap3A], %exp3A {strides = array<i32>} : memref<10000xf32, #tpu.memory_space<vmem>>, vector<16xf32>,
      %shift_right_logical3A = arith.constant 4 : i32
      %shift_right_logical3A_77 = vector.broadcast %shift_right_logical3A : i32 to vector<16xi32>
      %shift_right_logical3A_78 = arith.shrui %get3A_73, %shift_right_logical3A_77 : vector<16xi32>
      %and3A = arith.constant 15 : i32
      %and3A_79 = vector.broadcast %and3A : i32 to vector<16xi32>
      %and3A_80 = arith.andi %get3A_73, %and3A_79 : vector<16xi32>
      tpu.vector_store_idx %arg12[%shift_right_logical3A_78, %and3A_80], %exp3A {add = true} : memref<640x16xf32, #tpu.memory_space<vmem>>[vector<16xi32>, vector<16xi32>], vector<16xf32>,
      %mul3A_81 = arith.constant 5 : i32
      %mul3A_82 = arith.muli %scan3A_63, %mul3A_81 : i32
      %add3A_83 = arith.constant 1 : i32
      %add3A_84 = arith.addi %mul3A_82, %add3A_83 : i32
      %mul3A_85 = arith.constant 16 : i32
      %mul3A_86 = arith.muli %add3A_84, %mul3A_85 : i32
      %get3A_87 = arith.index_cast %mul3A_86 : i32 to index
      %get3A_88 = tpu.vector_load %arg9[%get3A_87] {strides = array<i32>} : memref<10000xi32, #tpu.memory_space<vmem>>, vector<16xi32>,
      %get3A_89 = arith.index_cast %mul3A_86 : i32 to index
      %get3A_90 = tpu.vector_load %arg10[%get3A_89] {strides = array<i32>} : memref<10000xi32, #tpu.memory_space<vmem>>, vector<16xi32>,
      %gather3A_91 = tpu.vector_load_idx %arg17[%get3A_88] : memref<10240xf32, #tpu.memory_space<vmem>>[vector<16xi32>], vector<16xf32>,
      %gather3A_92 = tpu.vector_load_idx %arg18[%get3A_90] : memref<10240xf32, #tpu.memory_space<vmem>>[vector<16xi32>], vector<16xf32>,
      %add3A_93 = arith.addf %gather3A_91, %gather3A_92 : vector<16xf32>
      %sub3A_94 = arith.subf %add3A_93, %get3A_28 : vector<16xf32>
      %exp3A_95 = math.exp %sub3A_94 : vector<16xf32>
      %swap3A_96 = arith.index_cast %mul3A_86 : i32 to index
      %swap3A_97 = tpu.vector_load %arg16[%swap3A_96] {strides = array<i32>} : memref<10000xf32, #tpu.memory_space<vmem>>, vector<16xf32>,
      tpu.vector_store %arg16[%swap3A_96], %exp3A_95 {strides = array<i32>} : memref<10000xf32, #tpu.memory_space<vmem>>, vector<16xf32>,
      %shift_right_logical3A_98 = arith.constant 4 : i32
      %shift_right_logical3A_99 = vector.broadcast %shift_right_logical3A_98 : i32 to vector<16xi32>
      %shift_right_logical3A_100 = arith.shrui %get3A_90, %shift_right_logical3A_99 : vector<16xi32>
      %and3A_101 = arith.constant 15 : i32
      %and3A_102 = vector.broadcast %and3A_101 : i32 to vector<16xi32>
      %and3A_103 = arith.andi %get3A_90, %and3A_102 : vector<16xi32>
      tpu.vector_store_idx %arg12[%shift_right_logical3A_100, %and3A_103], %exp3A_95 {add = true} : memref<640x16xf32, #tpu.memory_space<vmem>>[vector<16xi32>, vector<16xi32>], vector<16xf32>,
      %mul3A_104 = arith.constant 5 : i32
      %mul3A_105 = arith.muli %scan3A_63, %mul3A_104 : i32
      %add3A_106 = arith.constant 2 : i32
      %add3A_107 = arith.addi %mul3A_105, %add3A_106 : i32
      %mul3A_108 = arith.constant 16 : i32
      %mul3A_109 = arith.muli %add3A_107, %mul3A_108 : i32
      %get3A_110 = arith.index_cast %mul3A_109 : i32 to index
      %get3A_111 = tpu.vector_load %arg9[%get3A_110] {strides = array<i32>} : memref<10000xi32, #tpu.memory_space<vmem>>, vector<16xi32>,
      %get3A_112 = arith.index_cast %mul3A_109 : i32 to index
      %get3A_113 = tpu.vector_load %arg10[%get3A_112] {strides = array<i32>} : memref<10000xi32, #tpu.memory_space<vmem>>, vector<16xi32>,
      %gather3A_114 = tpu.vector_load_idx %arg17[%get3A_111] : memref<10240xf32, #tpu.memory_space<vmem>>[vector<16xi32>], vector<16xf32>,
      %gather3A_115 = tpu.vector_load_idx %arg18[%get3A_113] : memref<10240xf32, #tpu.memory_space<vmem>>[vector<16xi32>], vector<16xf32>,
      %add3A_116 = arith.addf %gather3A_114, %gather3A_115 : vector<16xf32>
      %sub3A_117 = arith.subf %add3A_116, %get3A_28 : vector<16xf32>
      %exp3A_118 = math.exp %sub3A_117 : vector<16xf32>
      %swap3A_119 = arith.index_cast %mul3A_109 : i32 to index
      %swap3A_120 = tpu.vector_load %arg16[%swap3A_119] {strides = array<i32>} : memref<10000xf32, #tpu.memory_space<vmem>>, vector<16xf32>,
      tpu.vector_store %arg16[%swap3A_119], %exp3A_118 {strides = array<i32>} : memref<10000xf32, #tpu.memory_space<vmem>>, vector<16xf32>,
      %shift_right_logical3A_121 = arith.constant 4 : i32
      %shift_right_logical3A_122 = vector.broadcast %shift_right_logical3A_121 : i32 to vector<16xi32>
      %shift_right_logical3A_123 = arith.shrui %get3A_113, %shift_right_logical3A_122 : vector<16xi32>
      %and3A_124 = arith.constant 15 : i32
      %and3A_125 = vector.broadcast %and3A_124 : i32 to vector<16xi32>
      %and3A_126 = arith.andi %get3A_113, %and3A_125 : vector<16xi32>
      tpu.vector_store_idx %arg12[%shift_right_logical3A_123, %and3A_126], %exp3A_118 {add = true} : memref<640x16xf32, #tpu.memory_space<vmem>>[vector<16xi32>, vector<16xi32>], vector<16xf32>,
      %mul3A_127 = arith.constant 5 : i32
      %mul3A_128 = arith.muli %scan3A_63, %mul3A_127 : i32
      %add3A_129 = arith.constant 3 : i32
      %add3A_130 = arith.addi %mul3A_128, %add3A_129 : i32
      %mul3A_131 = arith.constant 16 : i32
      %mul3A_132 = arith.muli %add3A_130, %mul3A_131 : i32
      %get3A_133 = arith.index_cast %mul3A_132 : i32 to index
      %get3A_134 = tpu.vector_load %arg9[%get3A_133] {strides = array<i32>} : memref<10000xi32, #tpu.memory_space<vmem>>, vector<16xi32>,
      %get3A_135 = arith.index_cast %mul3A_132 : i32 to index
      %get3A_136 = tpu.vector_load %arg10[%get3A_135] {strides = array<i32>} : memref<10000xi32, #tpu.memory_space<vmem>>, vector<16xi32>,
      %gather3A_137 = tpu.vector_load_idx %arg17[%get3A_134] : memref<10240xf32, #tpu.memory_space<vmem>>[vector<16xi32>], vector<16xf32>,
      %gather3A_138 = tpu.vector_load_idx %arg18[%get3A_136] : memref<10240xf32, #tpu.memory_space<vmem>>[vector<16xi32>], vector<16xf32>,
      %add3A_139 = arith.addf %gather3A_137, %gather3A_138 : vector<16xf32>
      %sub3A_140 = arith.subf %add3A_139, %get3A_28 : vector<16xf32>
      %exp3A_141 = math.exp %sub3A_140 : vector<16xf32>
      %swap3A_142 = arith.index_cast %mul3A_132 : i32 to index
      %swap3A_143 = tpu.vector_load %arg16[%swap3A_142] {strides = array<i32>} : memref<10000xf32, #tpu.memory_space<vmem>>, vector<16xf32>,
      tpu.vector_store %arg16[%swap3A_142], %exp3A_141 {strides = array<i32>} : memref<10000xf32, #tpu.memory_space<vmem>>, vector<16xf32>,
      %shift_right_logical3A_144 = arith.constant 4 : i32
      %shift_right_logical3A_145 = vector.broadcast %shift_right_logical3A_144 : i32 to vector<16xi32>
      %shift_right_logical3A_146 = arith.shrui %get3A_136, %shift_right_logical3A_145 : vector<16xi32>
      %and3A_147 = arith.constant 15 : i32
      %and3A_148 = vector.broadcast %and3A_147 : i32 to vector<16xi32>
      %and3A_149 = arith.andi %get3A_136, %and3A_148 : vector<16xi32>
      tpu.vector_store_idx %arg12[%shift_right_logical3A_146, %and3A_149], %exp3A_141 {add = true} : memref<640x16xf32, #tpu.memory_space<vmem>>[vector<16xi32>, vector<16xi32>], vector<16xf32>,
      %mul3A_150 = arith.constant 5 : i32
      %mul3A_151 = arith.muli %scan3A_63, %mul3A_150 : i32
      %add3A_152 = arith.constant 4 : i32
      %add3A_153 = arith.addi %mul3A_151, %add3A_152 : i32
      %mul3A_154 = arith.constant 16 : i32
      %mul3A_155 = arith.muli %add3A_153, %mul3A_154 : i32
      %get3A_156 = arith.index_cast %mul3A_155 : i32 to index
      %get3A_157 = tpu.vector_load %arg9[%get3A_156] {strides = array<i32>} : memref<10000xi32, #tpu.memory_space<vmem>>, vector<16xi32>,
      %get3A_158 = arith.index_cast %mul3A_155 : i32 to index
      %get3A_159 = tpu.vector_load %arg10[%get3A_158] {strides = array<i32>} : memref<10000xi32, #tpu.memory_space<vmem>>, vector<16xi32>,
      %gather3A_160 = tpu.vector_load_idx %arg17[%get3A_157] : memref<10240xf32, #tpu.memory_space<vmem>>[vector<16xi32>], vector<16xf32>,
      %gather3A_161 = tpu.vector_load_idx %arg18[%get3A_159] : memref<10240xf32, #tpu.memory_space<vmem>>[vector<16xi32>], vector<16xf32>,
      %add3A_162 = arith.addf %gather3A_160, %gather3A_161 : vector<16xf32>
      %sub3A_163 = arith.subf %add3A_162, %get3A_28 : vector<16xf32>
      %exp3A_164 = math.exp %sub3A_163 : vector<16xf32>
      %swap3A_165 = arith.index_cast %mul3A_155 : i32 to index
      %swap3A_166 = tpu.vector_load %arg16[%swap3A_165] {strides = array<i32>} : memref<10000xf32, #tpu.memory_space<vmem>>, vector<16xf32>,
      tpu.vector_store %arg16[%swap3A_165], %exp3A_164 {strides = array<i32>} : memref<10000xf32, #tpu.memory_space<vmem>>, vector<16xf32>,
      %shift_right_logical3A_167 = arith.constant 4 : i32
      %shift_right_logical3A_168 = vector.broadcast %shift_right_logical3A_167 : i32 to vector<16xi32>
      %shift_right_logical3A_169 = arith.shrui %get3A_159, %shift_right_logical3A_168 : vector<16xi32>
      %and3A_170 = arith.constant 15 : i32
      %and3A_171 = vector.broadcast %and3A_170 : i32 to vector<16xi32>
      %and3A_172 = arith.andi %get3A_159, %and3A_171 : vector<16xi32>
      tpu.vector_store_idx %arg12[%shift_right_logical3A_169, %and3A_172], %exp3A_164 {add = true} : memref<640x16xf32, #tpu.memory_space<vmem>>[vector<16xi32>, vector<16xi32>], vector<16xf32>,
    }
    %scan3A_34 = arith.constant 125 : i32
    %dma_start3A_35 = arith.constant 0 : i32
    %dma_start3A_36 = tpu.memref_slice %arg8[%add3A, %dma_start3A_35] : memref<32x10000xf32, #tpu.memory_space<hbm>> -> memref<1x10000xf32, #tpu.memory_space<hbm>>
    %dma_start3A_37 = tpu.memref_squeeze %dma_start3A_36 : memref<1x10000xf32, #tpu.memory_space<hbm>> -> memref<10000xf32, #tpu.memory_space<hbm>>
    %dma_start3A_38 = arith.constant 0 : i32
    %dma_start3A_39 = tpu.memref_slice %arg8[%add3A, %dma_start3A_38] : memref<32x10000xf32, #tpu.memory_space<hbm>> -> memref<1x10000xf32, #tpu.memory_space<hbm>>
    %dma_start3A_40 = tpu.memref_squeeze %dma_start3A_39 : memref<1x10000xf32, #tpu.memory_space<hbm>> -> memref<10000xf32, #tpu.memory_space<hbm>>
    tpu.enqueue_dma source(%arg16 : memref<10000xf32, #tpu.memory_space<vmem>>) target(%dma_start3A_40 : memref<10000xf32, #tpu.memory_space<hbm>>) target_semaphore(%arg15 : memref<!tpu.dma_semaphore, #tpu.memory_space<semaphore_mem>>)
    %mul3A_41 = arith.constant 16 : i32
    %mul3A_42 = arith.muli %arg0, %mul3A_41 : i32
    %add3A_43 = arith.addi %mul3A_42, %arg1 : i32
    %mul3A_44 = arith.constant 20 : i32
    %mul3A_45 = arith.muli %add3A_43, %mul3A_44 : i32
    %scan3A_46 = arith.constant 0 : i32
    %scan3A_47 = arith.constant 0 : i32
    %scan3A_48 = arith.constant 20 : i32
    %scan3A_49 = arith.addi %scan3A_47, %scan3A_48 : i32
    %scan3A_50 = arith.constant 1 : i32
    scf.for %scan3A_63 = %scan3A_47 to %scan3A_49 step %scan3A_50  : i32 {
      %add3A_64 = arith.addi %mul3A_45, %scan3A_63 : i32
      %lt3A = arith.constant 625 : i32
      %lt3A_65 = arith.cmpi slt, %add3A_64, %lt3A : i32
      %convert_element_type3A_66 = arith.extui %lt3A_65 : i1 to i32
      %cond3A_67 = arith.constant 0 : i32
      %cond3A_68 = arith.cmpi ne, %convert_element_type3A_66, %cond3A_67 : i32
      scf.if %cond3A_68 {
        %mul3A_69 = arith.constant 16 : i32
        %mul3A_70 = arith.muli %add3A_64, %mul3A_69 : i32
        %get3A_71 = arith.index_cast %mul3A_70 : i32 to index
        %get3A_72 = tpu.vector_load %arg17[%get3A_71] {strides = array<i32>} : memref<10240xf32, #tpu.memory_space<vmem>>, vector<16xf32>,
        %mul3A_73 = arith.constant 16 : i32
        %mul3A_74 = arith.muli %add3A_64, %mul3A_73 : i32
        %get3A_75 = arith.index_cast %mul3A_74 : i32 to index
        %get3A_76 = tpu.vector_load %arg18[%get3A_75] {strides = array<i32>} : memref<10240xf32, #tpu.memory_space<vmem>>, vector<16xf32>,
        %add3A_77 = arith.addf %get3A_72, %get3A_76 : vector<16xf32>
        %sub3A = arith.subf %add3A_77, %get3A_28 : vector<16xf32>
        %exp3A = math.exp %sub3A : vector<16xf32>
        %get3A_78 = arith.index_cast %add3A_64 : i32 to index
        %get3A_79 = arith.constant 0 : index
        %get3A_80 = tpu.vector_load %arg12[%get3A_78, %get3A_79] {strides = array<i32>} : memref<640x16xf32, #tpu.memory_space<vmem>>, vector<16xf32>,
        %add3A_81 = arith.addf %get3A_80, %exp3A : vector<16xf32>
        %swap3A = arith.index_cast %add3A_64 : i32 to index
        %swap3A_82 = arith.constant 0 : index
        %swap3A_83 = tpu.vector_load %arg12[%swap3A, %swap3A_82] {strides = array<i32>} : memref<640x16xf32, #tpu.memory_space<vmem>>, vector<16xf32>,
        tpu.vector_store %arg12[%swap3A, %swap3A_82], %add3A_81 {strides = array<i32>} : memref<640x16xf32, #tpu.memory_space<vmem>>, vector<16xf32>,
      } else {
      }
    }
    %scan3A_51 = arith.constant 20 : i32
    %dma_wait3A_52 = arith.constant 0 : i32
    %dma_wait3A_53 = tpu.memref_slice %arg8[%add3A, %dma_wait3A_52] : memref<32x10000xf32, #tpu.memory_space<hbm>> -> memref<1x10000xf32, #tpu.memory_space<hbm>>
    %dma_wait3A_54 = tpu.memref_squeeze %dma_wait3A_53 : memref<1x10000xf32, #tpu.memory_space<hbm>> -> memref<10000xf32, #tpu.memory_space<hbm>>
    %dma_wait3A_55 = arith.constant 0 : i32
    %dma_wait3A_56 = tpu.memref_slice %arg8[%add3A, %dma_wait3A_55] : memref<32x10000xf32, #tpu.memory_space<hbm>> -> memref<1x10000xf32, #tpu.memory_space<hbm>>
    %dma_wait3A_57 = tpu.memref_squeeze %dma_wait3A_56 : memref<1x10000xf32, #tpu.memory_space<hbm>> -> memref<10000xf32, #tpu.memory_space<hbm>>
    tpu.wait_dma2 semaphore(%arg15 : memref<!tpu.dma_semaphore, #tpu.memory_space<semaphore_mem>>) src(%arg16 : memref<10000xf32, #tpu.memory_space<vmem>>) dst(%dma_wait3A_57 : memref<10000xf32, #tpu.memory_space<hbm>>)
    "tpu.region"() ({
      %run_scoped3A = tpu.sem_alloc : memref<!tpu.dma_semaphore, #tpu.memory_space<semaphore_mem>>
      %dma_start3A_63 = arith.constant 0 : i32
      %dma_start3A_64 = arith.constant 0 : i32
      %dma_start3A_65 = tpu.memref_slice %arg19[%dma_start3A_63, %dma_start3A_64] : memref<640x16xf32, #tpu.memory_space<vmem_shared>> -> memref<640x16xf32, #tpu.memory_space<vmem_shared>>
      tpu.enqueue_indirect_dma source(%arg12 : memref<640x16xf32, #tpu.memory_space<vmem>>) target(%dma_start3A_65 : memref<640x16xf32, #tpu.memory_space<vmem_shared>>) offsets(%arg13 : memref<640xi32, #tpu.memory_space<vmem>>) semaphore(%run_scoped3A : memref<!tpu.dma_semaphore, #tpu.memory_space<semaphore_mem>>) {add = true}
      %dma_wait3A_66 = arith.constant 0 : i32
      %dma_wait3A_67 = arith.constant 0 : i32
      %dma_wait3A_68 = tpu.memref_slice %arg19[%dma_wait3A_66, %dma_wait3A_67] : memref<640x16xf32, #tpu.memory_space<vmem_shared>> -> memref<640x16xf32, #tpu.memory_space<vmem_shared>>
      tpu.wait_indirect_dma semaphore(%run_scoped3A : memref<!tpu.dma_semaphore, #tpu.memory_space<semaphore_mem>>) src(%arg12 : memref<640x16xf32, #tpu.memory_space<vmem>>) dst(%dma_wait3A_68 : memref<640x16xf32, #tpu.memory_space<vmem_shared>>)
      tpu.yield
    }) : () -> ()
    %barrier3A_58 = arith.constant 0 : index
    tpu.barrier barrier_id(%barrier3A_58)
    %mul3A_59 = arith.constant 40 : i32
    %mul3A_60 = arith.muli %arg1, %mul3A_59 : i32
    "tpu.region"() ({
      %run_scoped3A = tpu.sem_alloc : memref<!tpu.dma_semaphore, #tpu.memory_space<semaphore_mem>>
      %dma_start3A_63 = arith.constant 0 : i32
      %dma_start3A_64 = tpu.memref_slice %arg19[%mul3A_60, %dma_start3A_63] : memref<640x16xf32, #tpu.memory_space<vmem_shared>> -> memref<40x16xf32, #tpu.memory_space<vmem_shared>>
      %dma_start3A_65 = arith.constant 0 : i32
      %dma_start3A_66 = tpu.memref_slice %arg19[%mul3A_60, %dma_start3A_65] : memref<640x16xf32, #tpu.memory_space<vmem_shared>> -> memref<40x16xf32, #tpu.memory_space<vmem_shared>>
      tpu.enqueue_dma source(%dma_start3A_66 : memref<40x16xf32, #tpu.memory_space<vmem_shared>>) target(%arg14 : memref<40x16xf32, #tpu.memory_space<vmem>>) target_semaphore(%run_scoped3A : memref<!tpu.dma_semaphore, #tpu.memory_space<semaphore_mem>>)
      %dma_wait3A_67 = arith.constant 0 : i32
      %dma_wait3A_68 = tpu.memref_slice %arg19[%mul3A_60, %dma_wait3A_67] : memref<640x16xf32, #tpu.memory_space<vmem_shared>> -> memref<40x16xf32, #tpu.memory_space<vmem_shared>>
      %dma_wait3A_69 = arith.constant 0 : i32
      %dma_wait3A_70 = tpu.memref_slice %arg19[%mul3A_60, %dma_wait3A_69] : memref<640x16xf32, #tpu.memory_space<vmem_shared>> -> memref<40x16xf32, #tpu.memory_space<vmem_shared>>
      tpu.wait_dma2 semaphore(%run_scoped3A : memref<!tpu.dma_semaphore, #tpu.memory_space<semaphore_mem>>) src(%dma_wait3A_70 : memref<40x16xf32, #tpu.memory_space<vmem_shared>>) dst(%arg14 : memref<40x16xf32, #tpu.memory_space<vmem>>)
      tpu.yield
    }) : () -> ()
    %mul3A_61 = arith.constant 40 : i32
    %mul3A_62 = arith.muli %arg1, %mul3A_61 : i32
    "tpu.region"() ({
      %run_scoped3A = tpu.sem_alloc : memref<!tpu.dma_semaphore, #tpu.memory_space<semaphore_mem>>
      %dma_start3A_63 = arith.constant 0 : i32
      %dma_start3A_64 = tpu.memref_slice %arg7[%arg0, %mul3A_62, %dma_start3A_63] : memref<2x640x16xf32, #tpu.memory_space<hbm>> -> memref<1x40x16xf32, #tpu.memory_space<hbm>>
      %dma_start3A_65 = tpu.memref_squeeze %dma_start3A_64 : memref<1x40x16xf32, #tpu.memory_space<hbm>> -> memref<40x16xf32, #tpu.memory_space<hbm>>
      %dma_start3A_66 = arith.constant 0 : i32
      %dma_start3A_67 = tpu.memref_slice %arg7[%arg0, %mul3A_62, %dma_start3A_66] : memref<2x640x16xf32, #tpu.memory_space<hbm>> -> memref<1x40x16xf32, #tpu.memory_space<hbm>>
      %dma_start3A_68 = tpu.memref_squeeze %dma_start3A_67 : memref<1x40x16xf32, #tpu.memory_space<hbm>> -> memref<40x16xf32, #tpu.memory_space<hbm>>
      tpu.enqueue_dma source(%arg14 : memref<40x16xf32, #tpu.memory_space<vmem>>) target(%dma_start3A_68 : memref<40x16xf32, #tpu.memory_space<hbm>>) target_semaphore(%run_scoped3A : memref<!tpu.dma_semaphore, #tpu.memory_space<semaphore_mem>>)
      %dma_wait3A_69 = arith.constant 0 : i32
      %dma_wait3A_70 = tpu.memref_slice %arg7[%arg0, %mul3A_62, %dma_wait3A_69] : memref<2x640x16xf32, #tpu.memory_space<hbm>> -> memref<1x40x16xf32, #tpu.memory_space<hbm>>
      %dma_wait3A_71 = tpu.memref_squeeze %dma_wait3A_70 : memref<1x40x16xf32, #tpu.memory_space<hbm>> -> memref<40x16xf32, #tpu.memory_space<hbm>>
      %dma_wait3A_72 = arith.constant 0 : i32
      %dma_wait3A_73 = tpu.memref_slice %arg7[%arg0, %mul3A_62, %dma_wait3A_72] : memref<2x640x16xf32, #tpu.memory_space<hbm>> -> memref<1x40x16xf32, #tpu.memory_space<hbm>>
      %dma_wait3A_74 = tpu.memref_squeeze %dma_wait3A_73 : memref<1x40x16xf32, #tpu.memory_space<hbm>> -> memref<40x16xf32, #tpu.memory_space<hbm>>
      tpu.wait_dma2 semaphore(%run_scoped3A : memref<!tpu.dma_semaphore, #tpu.memory_space<semaphore_mem>>) src(%arg14 : memref<40x16xf32, #tpu.memory_space<vmem>>) dst(%dma_wait3A_74 : memref<40x16xf32, #tpu.memory_space<hbm>>)
      tpu.yield
    }) : () -> ()
    return
  }
}

module attributes {stable_mosaic.version = 14 : i64} {
  func.func @_enc_body(%arg0: i32, %arg1: memref<1024x128xf32, #tpu.memory_space<vmem>>, %arg2: memref<128x128xf32, #tpu.memory_space<vmem>>, %arg3: memref<1x128xf32, #tpu.memory_space<vmem>>, %arg4: memref<128x8xf32, #tpu.memory_space<vmem>>, %arg5: memref<1024x128xf32, #tpu.memory_space<vmem>>, %arg6: memref<10240xf32, #tpu.memory_space<vmem>>, %arg7: memref<10240xf32, #tpu.memory_space<vmem>>, %arg8: memref<8x128xf32, #tpu.memory_space<vmem>>) attributes {dimension_semantics = [#tpu.dimension_semantics<arbitrary>], iteration_bounds = array<i64: 10>, scalar_prefetch = 0 : i64, scratch_operands = 0 : i64, tpu.core_type = #tpu.core_type<tc>, window_params = [{transform_indices = @transform_0, window_bounds = array<i64: 1024, 128>}, {pipeline_mode = #tpu.pipeline_mode<synchronous>, transform_indices = @transform_1, window_bounds = array<i64: 128, 128>}, {pipeline_mode = #tpu.pipeline_mode<synchronous>, transform_indices = @transform_2, window_bounds = array<i64: 1, 128>}, {pipeline_mode = #tpu.pipeline_mode<synchronous>, transform_indices = @transform_3, window_bounds = array<i64: 128, 8>}, {transform_indices = @transform_4, window_bounds = array<i64: 1024, 128>}, {pipeline_mode = #tpu.pipeline_mode<synchronous>, transform_indices = @transform_5, window_bounds = array<i64: 10240>}, {pipeline_mode = #tpu.pipeline_mode<synchronous>, transform_indices = @transform_6, window_bounds = array<i64: 10240>}, {pipeline_mode = #tpu.pipeline_mode<synchronous>, transform_indices = @transform_7, window_bounds = array<i64: 8, 128>}]} {
    %get3A = arith.constant 0 : index
    %get3A_0 = arith.constant 0 : index
    %get3A_1 = vector.load %arg1[%get3A, %get3A_0] : memref<1024x128xf32, #tpu.memory_space<vmem>>, vector<1024x128xf32>
    %get3A_2 = arith.constant 0 : index
    %get3A_3 = arith.constant 0 : index
    %get3A_4 = vector.load %arg2[%get3A_2, %get3A_3] : memref<128x128xf32, #tpu.memory_space<vmem>>, vector<128x128xf32>
    %dot_general3A = arith.constant dense<0.000000e+00> : vector<1024x128xf32>
    %dot_general3A_5 = tpu.matmul %get3A_1, %get3A_4, %dot_general3A {dimension_numbers = #tpu.dot_dimension_numbers<[1], [0], [0], [1], [0, 0, 1, 1], [], []>, transpose_lhs_hint = false} : vector<1024x128xf32>, vector<128x128xf32>, vector<1024x128xf32> -> vector<1024x128xf32>
    %get3A_6 = arith.constant 0 : index
    %get3A_7 = arith.constant 0 : index
    %get3A_8 = vector.load %arg3[%get3A_6, %get3A_7] : memref<1x128xf32, #tpu.memory_space<vmem>>, vector<1x128xf32>
    %add3A = vector.broadcast %get3A_8 : vector<1x128xf32> to vector<1024x128xf32>
    %add3A_9 = arith.addf %dot_general3A_5, %add3A : vector<1024x128xf32>
    %gt3A = arith.constant 0.000000e+00 : f32
    %gt3A_10 = vector.broadcast %gt3A : f32 to vector<1024x128xf32>
    %gt3A_11 = arith.cmpf ogt, %add3A_9, %gt3A_10 : vector<1024x128xf32>
    %min3A = arith.constant 0.000000e+00 : f32
    %min3A_12 = vector.broadcast %min3A : f32 to vector<1024x128xf32>
    %min3A_13 = arith.minimumf %add3A_9, %min3A_12 : vector<1024x128xf32>
    %exp3A = math.exp %min3A_13 : vector<1024x128xf32>
    %sub3A = arith.constant 1.000000e+00 : f32
    %sub3A_14 = vector.broadcast %sub3A : f32 to vector<1024x128xf32>
    %sub3A_15 = arith.subf %exp3A, %sub3A_14 : vector<1024x128xf32>
    %select_n3A = arith.select %gt3A_11, %add3A_9, %sub3A_15 : vector<1024x128xi1>, vector<1024x128xf32>
    %iota3A = tpu.iota {dimensions = array<i32: 0>} : vector<1024x1xi32>
    %mul3A = arith.constant 1024 : i32
    %mul3A_16 = arith.muli %arg0, %mul3A : i32
    %add3A_17 = vector.broadcast %mul3A_16 : i32 to vector<1024x1xi32>
    %add3A_18 = arith.addi %iota3A, %add3A_17 : vector<1024x1xi32>
    %lt3A = arith.constant 10000 : i32
    %lt3A_19 = vector.broadcast %lt3A : i32 to vector<1024x1xi32>
    %lt3A_20 = arith.cmpi slt, %add3A_18, %lt3A_19 : vector<1024x1xi32>
    %jit3A = arith.constant 0.000000e+00 : f32
    %broadcast_in_dim3A = vector.shape_cast %lt3A_20 : vector<1024x1xi1> to vector<1024x1xi1>
    %broadcast_in_dim3A_21 = vector.broadcast %broadcast_in_dim3A : vector<1024x1xi1> to vector<1024x128xi1>
    %broadcast_in_dim3A_22 = vector.broadcast %jit3A : f32 to vector<1024x128xf32>
    %select_n3A_23 = arith.select %broadcast_in_dim3A_21, %select_n3A, %broadcast_in_dim3A_22 : vector<1024x128xi1>, vector<1024x128xf32>
    %swap3A = arith.constant 0 : index
    %swap3A_24 = arith.constant 0 : index
    %swap3A_25 = vector.load %arg5[%swap3A, %swap3A_24] : memref<1024x128xf32, #tpu.memory_space<vmem>>, vector<1024x128xf32>
    tpu.vector_store %arg5[%swap3A, %swap3A_24], %select_n3A_23 {strides = array<i32>} : memref<1024x128xf32, #tpu.memory_space<vmem>>, vector<1024x128xf32>,
    %get3A_26 = arith.constant 0 : index
    %get3A_27 = arith.constant 0 : index
    %get3A_28 = vector.load %arg4[%get3A_26, %get3A_27] : memref<128x8xf32, #tpu.memory_space<vmem>>, vector<128x8xf32>
    %dot_general3A_29 = arith.constant dense<0.000000e+00> : vector<8x1024xf32>
    %dot_general3A_30 = tpu.matmul %get3A_28, %select_n3A_23, %dot_general3A_29 {dimension_numbers = #tpu.dot_dimension_numbers<[0], [1], [1], [0], [0, 1, 1, 0], [], []>, transpose_lhs_hint = false} : vector<128x8xf32>, vector<1024x128xf32>, vector<8x1024xf32> -> vector<8x1024xf32>
    %slice3A = vector.extract_strided_slice %dot_general3A_30 {offsets = [0, 0], sizes = [1, 1024], strides = [1, 1]} : vector<8x1024xf32> to vector<1x1024xf32>
    %squeeze3A = vector.shape_cast %slice3A : vector<1x1024xf32> to vector<1024xf32>
    %mul3A_31 = arith.constant 1024 : i32
    %mul3A_32 = arith.muli %arg0, %mul3A_31 : i32
    %swap3A_33 = arith.index_cast %mul3A_32 : i32 to index
    %swap3A_34 = vector.load %arg6[%swap3A_33] : memref<10240xf32, #tpu.memory_space<vmem>>, vector<1024xf32>
    tpu.vector_store %arg6[%swap3A_33], %squeeze3A {strides = array<i32>} : memref<10240xf32, #tpu.memory_space<vmem>>, vector<1024xf32>,
    %slice3A_35 = vector.extract_strided_slice %dot_general3A_30 {offsets = [1, 0], sizes = [1, 1024], strides = [1, 1]} : vector<8x1024xf32> to vector<1x1024xf32>
    %squeeze3A_36 = vector.shape_cast %slice3A_35 : vector<1x1024xf32> to vector<1024xf32>
    %mul3A_37 = arith.constant 1024 : i32
    %mul3A_38 = arith.muli %arg0, %mul3A_37 : i32
    %swap3A_39 = arith.index_cast %mul3A_38 : i32 to index
    %swap3A_40 = vector.load %arg7[%swap3A_39] : memref<10240xf32, #tpu.memory_space<vmem>>, vector<1024xf32>
    tpu.vector_store %arg7[%swap3A_39], %squeeze3A_36 {strides = array<i32>} : memref<10240xf32, #tpu.memory_space<vmem>>, vector<1024xf32>,
    %reduce_max3A = arith.constant dense<0xFF800000> : vector<8xf32>
    %reduce_max3A_41 = vector.multi_reduction <maximumf>, %dot_general3A_30, %reduce_max3A [1] : vector<8x1024xf32> to vector<8xf32>
    %broadcast_in_dim3A_42 = vector.shape_cast %reduce_max3A_41 : vector<8xf32> to vector<8x1xf32>
    %broadcast_in_dim3A_43 = arith.constant 0.000000e+00 : f32
    %broadcast_in_dim3A_44 = vector.broadcast %broadcast_in_dim3A_43 : f32 to vector<8x128xf32>
    %add3A_45 = vector.broadcast %broadcast_in_dim3A_42 : vector<8x1xf32> to vector<8x128xf32>
    %add3A_46 = arith.addf %add3A_45, %broadcast_in_dim3A_44 : vector<8x128xf32>
    %eq3A = arith.constant 0 : i32
    %eq3A_47 = arith.cmpi eq, %arg0, %eq3A : i32
    %convert_element_type3A = arith.extui %eq3A_47 : i1 to i32
    %cond3A = arith.constant 0 : i32
    %cond3A_48 = arith.cmpi ne, %convert_element_type3A, %cond3A : i32
    scf.if %cond3A_48 {
      %swap3A_54 = arith.constant 0 : index
      %swap3A_55 = arith.constant 0 : index
      %swap3A_56 = vector.load %arg8[%swap3A_54, %swap3A_55] : memref<8x128xf32, #tpu.memory_space<vmem>>, vector<8x128xf32>
      tpu.vector_store %arg8[%swap3A_54, %swap3A_55], %add3A_46 {strides = array<i32>} : memref<8x128xf32, #tpu.memory_space<vmem>>, vector<8x128xf32>,
    } else {
    }
    %gt3A_49 = arith.constant 0 : i32
    %gt3A_50 = arith.cmpi sgt, %arg0, %gt3A_49 : i32
    %convert_element_type3A_51 = arith.extui %gt3A_50 : i1 to i32
    %cond3A_52 = arith.constant 0 : i32
    %cond3A_53 = arith.cmpi ne, %convert_element_type3A_51, %cond3A_52 : i32
    scf.if %cond3A_53 {
      %get3A_54 = arith.constant 0 : index
      %get3A_55 = arith.constant 0 : index
      %get3A_56 = vector.load %arg8[%get3A_54, %get3A_55] : memref<8x128xf32, #tpu.memory_space<vmem>>, vector<8x128xf32>
      %max3A = arith.maximumf %get3A_56, %add3A_46 : vector<8x128xf32>
      %swap3A_57 = arith.constant 0 : index
      %swap3A_58 = arith.constant 0 : index
      %swap3A_59 = vector.load %arg8[%swap3A_57, %swap3A_58] : memref<8x128xf32, #tpu.memory_space<vmem>>, vector<8x128xf32>
      tpu.vector_store %arg8[%swap3A_57, %swap3A_58], %max3A {strides = array<i32>} : memref<8x128xf32, #tpu.memory_space<vmem>>, vector<8x128xf32>,
    } else {
    }
    return
  }
  func.func @transform_0(%arg0: i32) -> (i32, i32) {
    %c0_i32 = arith.constant 0 : i32
    %c0_i32_0 = arith.constant 0 : i32
    return %arg0, %c0_i32 : i32, i32
  }
  func.func @transform_1(%arg0: i32) -> (i32, i32) {
    %c0_i32 = arith.constant 0 : i32
    %c0_i32_0 = arith.constant 0 : i32
    %c0_i32_1 = arith.constant 0 : i32
    return %c0_i32, %c0_i32_0 : i32, i32
  }
  func.func @transform_2(%arg0: i32) -> (i32, i32) {
    %c0_i32 = arith.constant 0 : i32
    %c0_i32_0 = arith.constant 0 : i32
    %c0_i32_1 = arith.constant 0 : i32
    return %c0_i32, %c0_i32_0 : i32, i32
  }
  func.func @transform_3(%arg0: i32) -> (i32, i32) {
    %c0_i32 = arith.constant 0 : i32
    %c0_i32_0 = arith.constant 0 : i32
    %c0_i32_1 = arith.constant 0 : i32
    return %c0_i32, %c0_i32_0 : i32, i32
  }
  func.func @transform_4(%arg0: i32) -> (i32, i32) {
    %c0_i32 = arith.constant 0 : i32
    %c0_i32_0 = arith.constant 0 : i32
    return %arg0, %c0_i32 : i32, i32
  }
  func.func @transform_5(%arg0: i32) -> i32 {
    %c0_i32 = arith.constant 0 : i32
    %c0_i32_0 = arith.constant 0 : i32
    return %c0_i32 : i32
  }
  func.func @transform_6(%arg0: i32) -> i32 {
    %c0_i32 = arith.constant 0 : i32
    %c0_i32_0 = arith.constant 0 : i32
    return %c0_i32 : i32
  }
  func.func @transform_7(%arg0: i32) -> (i32, i32) {
    %c0_i32 = arith.constant 0 : i32
    %c0_i32_0 = arith.constant 0 : i32
    %c0_i32_1 = arith.constant 0 : i32
    return %c0_i32, %c0_i32_0 : i32, i32
  }
}

module attributes {stable_mosaic.version = 14 : i64} {
  func.func @_out_body(%arg0: i32, %arg1: memref<2x10240xf32, #tpu.memory_space<vmem>>, %arg2: memref<1024x128xf32, #tpu.memory_space<vmem>>, %arg3: memref<1x16xf32, #tpu.memory_space<vmem>>, %arg4: memref<128x128xf32, #tpu.memory_space<vmem>>, %arg5: memref<16x128xf32, #tpu.memory_space<vmem>>, %arg6: memref<1x128xf32, #tpu.memory_space<vmem>>, %arg7: memref<1x128xf32, #tpu.memory_space<vmem>>, %arg8: memref<2x128xf32, #tpu.memory_space<vmem>>) attributes {dimension_semantics = [#tpu.dimension_semantics<arbitrary>], iteration_bounds = array<i64: 10>, scalar_prefetch = 0 : i64, scratch_operands = 1 : i64, tpu.core_type = #tpu.core_type<tc>, window_params = [{pipeline_mode = #tpu.pipeline_mode<synchronous>, transform_indices = @transform_0, window_bounds = array<i64: 2, 10240>}, {transform_indices = @transform_1, window_bounds = array<i64: 1024, 128>}, {pipeline_mode = #tpu.pipeline_mode<synchronous>, transform_indices = @transform_2, window_bounds = array<i64: 1, 16>}, {pipeline_mode = #tpu.pipeline_mode<synchronous>, transform_indices = @transform_3, window_bounds = array<i64: 128, 128>}, {pipeline_mode = #tpu.pipeline_mode<synchronous>, transform_indices = @transform_4, window_bounds = array<i64: 16, 128>}, {pipeline_mode = #tpu.pipeline_mode<synchronous>, transform_indices = @transform_5, window_bounds = array<i64: 1, 128>}, {pipeline_mode = #tpu.pipeline_mode<synchronous>, transform_indices = @transform_6, window_bounds = array<i64: 1, 128>}]} {
    %eq3A = arith.constant 0 : i32
    %eq3A_0 = arith.cmpi eq, %arg0, %eq3A : i32
    %convert_element_type3A = arith.extui %eq3A_0 : i1 to i32
    %cond3A = arith.constant 0 : i32
    %cond3A_1 = arith.cmpi ne, %convert_element_type3A, %cond3A : i32
    scf.if %cond3A_1 {
      %broadcast_in_dim3A = arith.constant 0.000000e+00 : f32
      %broadcast_in_dim3A_19 = vector.broadcast %broadcast_in_dim3A : f32 to vector<2x128xf32>
      %swap3A_20 = arith.constant 0 : index
      %swap3A_21 = arith.constant 0 : index
      %swap3A_22 = vector.load %arg8[%swap3A_20, %swap3A_21] : memref<2x128xf32, #tpu.memory_space<vmem>>, vector<2x128xf32>
      tpu.vector_store %arg8[%swap3A_20, %swap3A_21], %broadcast_in_dim3A_19 {strides = array<i32>} : memref<2x128xf32, #tpu.memory_space<vmem>>, vector<2x128xf32>,
    } else {
    }
    %mul3A = arith.constant 1024 : i32
    %mul3A_2 = arith.muli %arg0, %mul3A : i32
    %get3A = arith.constant 0 : index
    %get3A_3 = arith.index_cast %mul3A_2 : i32 to index
    %get3A_4 = vector.load %arg1[%get3A, %get3A_3] : memref<2x10240xf32, #tpu.memory_space<vmem>>, vector<2x1024xf32>
    %get3A_5 = arith.constant 0 : index
    %get3A_6 = arith.constant 0 : index
    %get3A_7 = vector.load %arg8[%get3A_5, %get3A_6] : memref<2x128xf32, #tpu.memory_space<vmem>>, vector<2x128xf32>
    %get3A_8 = arith.constant 0 : index
    %get3A_9 = arith.constant 0 : index
    %get3A_10 = vector.load %arg2[%get3A_8, %get3A_9] : memref<1024x128xf32, #tpu.memory_space<vmem>>, vector<1024x128xf32>
    %dot_general3A = arith.constant dense<0.000000e+00> : vector<2x128xf32>
    %dot_general3A_11 = tpu.matmul %get3A_4, %get3A_10, %dot_general3A {dimension_numbers = #tpu.dot_dimension_numbers<[1], [0], [0], [1], [0, 0, 1, 1], [], []>, transpose_lhs_hint = false} : vector<2x1024xf32>, vector<1024x128xf32>, vector<2x128xf32> -> vector<2x128xf32>
    %add3A = arith.addf %get3A_7, %dot_general3A_11 : vector<2x128xf32>
    %swap3A = arith.constant 0 : index
    %swap3A_12 = arith.constant 0 : index
    %swap3A_13 = vector.load %arg8[%swap3A, %swap3A_12] : memref<2x128xf32, #tpu.memory_space<vmem>>, vector<2x128xf32>
    tpu.vector_store %arg8[%swap3A, %swap3A_12], %add3A {strides = array<i32>} : memref<2x128xf32, #tpu.memory_space<vmem>>, vector<2x128xf32>,
    %eq3A_14 = arith.constant 9 : i32
    %eq3A_15 = arith.cmpi eq, %arg0, %eq3A_14 : i32
    %convert_element_type3A_16 = arith.extui %eq3A_15 : i1 to i32
    %cond3A_17 = arith.constant 0 : i32
    %cond3A_18 = arith.cmpi ne, %convert_element_type3A_16, %cond3A_17 : i32
    scf.if %cond3A_18 {
      %get3A_19 = arith.constant 0 : index
      %get3A_20 = arith.constant 0 : index
      %get3A_21 = vector.load %arg8[%get3A_19, %get3A_20] : memref<2x128xf32, #tpu.memory_space<vmem>>, vector<1x128xf32>
      %get3A_22 = arith.constant 1 : index
      %get3A_23 = arith.constant 0 : index
      %get3A_24 = vector.load %arg8[%get3A_22, %get3A_23] : memref<2x128xf32, #tpu.memory_space<vmem>>, vector<1x128xf32>
      %add3A_25 = arith.addf %get3A_21, %get3A_24 : vector<1x128xf32>
      %mul3A_26 = arith.constant 9.99999974E-5 : f32
      %mul3A_27 = vector.broadcast %mul3A_26 : f32 to vector<1x128xf32>
      %mul3A_28 = arith.mulf %add3A_25, %mul3A_27 : vector<1x128xf32>
      %get3A_29 = arith.constant 0 : index
      %get3A_30 = arith.constant 0 : index
      %get3A_31 = vector.load %arg4[%get3A_29, %get3A_30] : memref<128x128xf32, #tpu.memory_space<vmem>>, vector<128x128xf32>
      %dot_general3A_32 = arith.constant dense<0.000000e+00> : vector<1x128xf32>
      %dot_general3A_33 = tpu.matmul %mul3A_28, %get3A_31, %dot_general3A_32 {dimension_numbers = #tpu.dot_dimension_numbers<[1], [0], [0], [1], [0, 0, 1, 1], [], []>, transpose_lhs_hint = false} : vector<1x128xf32>, vector<128x128xf32>, vector<1x128xf32> -> vector<1x128xf32>
      %get3A_34 = arith.constant 0 : index
      %get3A_35 = arith.constant 0 : index
      %get3A_36 = vector.load %arg3[%get3A_34, %get3A_35] : memref<1x16xf32, #tpu.memory_space<vmem>>, vector<1x16xf32>
      %get3A_37 = arith.constant 0 : index
      %get3A_38 = arith.constant 0 : index
      %get3A_39 = vector.load %arg5[%get3A_37, %get3A_38] : memref<16x128xf32, #tpu.memory_space<vmem>>, vector<16x128xf32>
      %dot_general3A_40 = arith.constant dense<0.000000e+00> : vector<1x128xf32>
      %dot_general3A_41 = tpu.matmul %get3A_36, %get3A_39, %dot_general3A_40 {dimension_numbers = #tpu.dot_dimension_numbers<[1], [0], [0], [1], [0, 0, 1, 1], [], []>, transpose_lhs_hint = false} : vector<1x16xf32>, vector<16x128xf32>, vector<1x128xf32> -> vector<1x128xf32>
      %add3A_42 = arith.addf %dot_general3A_33, %dot_general3A_41 : vector<1x128xf32>
      %get3A_43 = arith.constant 0 : index
      %get3A_44 = arith.constant 0 : index
      %get3A_45 = vector.load %arg6[%get3A_43, %get3A_44] : memref<1x128xf32, #tpu.memory_space<vmem>>, vector<1x128xf32>
      %add3A_46 = arith.addf %add3A_42, %get3A_45 : vector<1x128xf32>
      %swap3A_47 = arith.constant 0 : index
      %swap3A_48 = arith.constant 0 : index
      %swap3A_49 = vector.load %arg7[%swap3A_47, %swap3A_48] : memref<1x128xf32, #tpu.memory_space<vmem>>, vector<1x128xf32>
      tpu.vector_store %arg7[%swap3A_47, %swap3A_48], %add3A_46 {strides = array<i32>} : memref<1x128xf32, #tpu.memory_space<vmem>>, vector<1x128xf32>,
    } else {
    }
    return
  }
  func.func @transform_0(%arg0: i32) -> (i32, i32) {
    %c0_i32 = arith.constant 0 : i32
    %c0_i32_0 = arith.constant 0 : i32
    %c0_i32_1 = arith.constant 0 : i32
    return %c0_i32, %c0_i32_0 : i32, i32
  }
  func.func @transform_1(%arg0: i32) -> (i32, i32) {
    %c0_i32 = arith.constant 0 : i32
    %c0_i32_0 = arith.constant 0 : i32
    return %arg0, %c0_i32 : i32, i32
  }
  func.func @transform_2(%arg0: i32) -> (i32, i32) {
    %c0_i32 = arith.constant 0 : i32
    %c0_i32_0 = arith.constant 0 : i32
    %c0_i32_1 = arith.constant 0 : i32
    return %c0_i32, %c0_i32_0 : i32, i32
  }
  func.func @transform_3(%arg0: i32) -> (i32, i32) {
    %c0_i32 = arith.constant 0 : i32
    %c0_i32_0 = arith.constant 0 : i32
    %c0_i32_1 = arith.constant 0 : i32
    return %c0_i32, %c0_i32_0 : i32, i32
  }
  func.func @transform_4(%arg0: i32) -> (i32, i32) {
    %c0_i32 = arith.constant 0 : i32
    %c0_i32_0 = arith.constant 0 : i32
    %c0_i32_1 = arith.constant 0 : i32
    return %c0_i32, %c0_i32_0 : i32, i32
  }
  func.func @transform_5(%arg0: i32) -> (i32, i32) {
    %c0_i32 = arith.constant 0 : i32
    %c0_i32_0 = arith.constant 0 : i32
    %c0_i32_1 = arith.constant 0 : i32
    return %c0_i32, %c0_i32_0 : i32, i32
  }
  func.func @transform_6(%arg0: i32) -> (i32, i32) {
    %c0_i32 = arith.constant 0 : i32
    %c0_i32_0 = arith.constant 0 : i32
    %c0_i32_1 = arith.constant 0 : i32
    return %c0_i32, %c0_i32_0 : i32, i32
  }
}

</mosaic_0001>

<sc_bundles>
// kernel: kernel.6.cloned.1.call-start
scs
__scs_entry_jumppad:
0x0: {  	(pc) =	sbr.rel $0x88, $3  }
0x1: {  	(tag) =	ssettag $0x0;
	lr =	simm.s32 $0x1  }
0x2: {  	[smem:$0x3F99] =	sst lr;
	_ =	strace $0xD0000000  }
0x3: {  	_ = 	snop  }
0x4: {  	_ = 	snop  }
0x5: {  	_ = 	snop  }
0x6: {  	_ = 	snop  }
0x7: {  	_ = 	snop  }
__scs_overlays_trampoline_lowered:
0x8: {  	[smem:$0x3FA8] =	sst s0  }
0x9: {  	[smem:$0x3FA9] =	sst s1  }
0xa: {  	[smem:$0x3FAA] =	sst s2  }
0xb: {  	[smem:$0x3FAB] =	sst s3  }
0xc: {  	[smem:$0x3FAC] =	sst s4  }
0xd: {  	[smem:$0x3FAD] =	sst s5  }
0xe: {  	[smem:$0x3FAE] =	sst s6  }
0xf: {  	[smem:$0x3FAF] =	sst s7  }
0x10: {  	[smem:$0x3FB0] =	sst s8  }
0x11: {  	[smem:$0x3FB1] =	sst s9;
	s0 =	simm.s32 @!p0 $0x0  }
0x12: {  	s1 =	sld [smem:$0x3F97];
	s0 =	simm.s32 @p0 $0x1  }
0x13: {  	[smem:$0x3FB2] =	sst s0;
	s0 =	simm.s32 @!p1 $0x0  }
0x14: {  	s2 =	sld [smem:$0x3F96];
	s0 =	simm.s32 @p1 $0x1  }
0x15: {  	[smem:$0x3FB3] =	sst s0;
	s0 =	simm.s32 @!p2 $0x0  }
0x16: {  	s3 =	sld [smem:$0x3FDB];
	s0 =	simm.s32 @p2 $0x1  }
0x17: {  	s4 =	simm.s32 $0x1BF5;
	[smem:$0x3FB5] =	sst s0  }
0x18: {  	s0 =	sld [smem:$0x3F98];
	_ =	swait.ge [sflag:s4], $0x0  }
0x19: {  	s7 =	sld [smem:$0x3F99]  }
0x1a: {  	s8 =	sadd.s32 $0xFFFFE003, lr  }
0x1b: {  	s9 =	sadd.s32 $0xFFFFFEF7, lr;
	s5 =	simm.s32 $0xFFFFFFFF;
	p2 =	slt.u32 s8, $0xFFFFF086  }
0x1c: {  	p1 =	slt.u32 s9, $0xF7A;
	s5 =	simm.s32 @!p2 $0x0  }
0x1d: {  	s5 =	simm.s32 @p1 $0x1;
	p0 =	seq.s32 s7, s2  }
0x1e: {  	s7 =	smul.u32 @!p0 $0xF7A, s2;
	p2 =	seq.s32 @!p0 s5, $0x0  }
0x1f: {  	s9 =	smul.u32 $0xF7A, s1;
	s8 =	simm.s32 @!p0 $0x1BF5;
	p2 =	por !p2, p0  }
0x20: {  	[sflag:s8] =	ssyncset.s32 @!p0 $0xFFFFF086;
	s6 =	sadd.s32 @!p0 s3, s7;
	s7 =	simm.s32 @!p0 $0x108  }
0x21: {  	s3 =	sadd.s32 s3, s9;
	s6 =	sadd.s32 @!p0 $0x88, s6;
	s7 =	simm.s32 @p2 $0x1082  }
0x22: {  	[simem:s7], [sflag:s8] =	dma.local @!p0 [hbm:s6], $0xF7A  }
0x23: {  	s9 =	sor.u32 $0xD0000000, s2;
	s6 =	simm.s32 $0x108;
	_ =	swait.ge @!p0 [sflag:s8], $0x0  }
0x24: {  	s3 =	sadd.s32 $0x88, s3;
	s6 =	simm.s32 @!p1 $0x1082;
	[sflag:s4] =	ssyncset.s32 $0xFFFFF086  }
0x25: {  	[simem:s6], [sflag:s4] =	dma.local [hbm:s3], $0xF7A  }
0x26: {  	[smem:$0x3F99] =	sst s1;
	(tag) =	ssettag s2;
	_ =	strace s9  }
0x27: {  	s1 =	sld [smem:$0x3FA9]  }
0x28: {  	s2 =	sld [smem:$0x3FAA]  }
0x29: {  	s4 =	sld [smem:$0x3FAC]  }
0x2a: {  	p0 =	seq.s32 s5, $0x0;
	s5 =	sld [smem:$0x3FAD]  }
0x2b: {  	s6 =	sld [smem:$0x3FAE]  }
0x2c: {  	s7 =	sld [smem:$0x3FAF]  }
0x2d: {  	s3 =	simm.s32 $0x108;
	s8 =	sld [smem:$0x3FB0]  }
0x2e: {  	s3 =	simm.s32 @!p0 $0x1082;
	s9 =	sld [smem:$0x3FB1]  }
0x2f: {  	lr =	sadd.s32 s0, s3;
	s0 =	sld [smem:$0x3FA8]  }
0x30: {  	s3 =	sld [smem:$0x3FAB]  }
0x31: {  	[smem:$0x3FB4] =	sst s10  }
0x32: {  	s10 =	sld [smem:$0x3FB2];
	_ =	sdelay $0x3  }
0x33: {  	p0 =	seq.s32 s10, $0x1;
	s10 =	sld [smem:$0x3FB4];
	_ =	sdelay $0x3  }
0x34: {  	[smem:$0x3FB4] =	sst s10  }
0x35: {  	s10 =	sld [smem:$0x3FB3];
	_ =	sdelay $0x3  }
0x36: {  	p1 =	seq.s32 s10, $0x1;
	s10 =	sld [smem:$0x3FB4];
	_ =	sdelay $0x3  }
0x37: {  	[smem:$0x3FB4] =	sst s10  }
0x38: {  	s10 =	sld [smem:$0x3FB5]  }
0x39: {  	_ = 	snop;
	(pc) =	sbr.ind lr, $3  }
0x3a: {  	_ = 	snop  }
0x3b: {  	_ = 	snop  }
0x3c: {  	p2 =	seq.s32 s10, $0x1;
	s10 =	sld [smem:$0x3FB4]  }
0x3d: {  	_ =	shalt  }
0x3e: {  	_ =	shalt  }
0x3f: {  	_ =	shalt  }
0x40: {  	_ =	shalt  }
0x41: {  	_ =	shalt  }
0x42: {  	_ =	shalt  }
0x43: {  	_ =	shalt  }
0x44: {  	_ =	shalt  }
0x45: {  	_ =	shalt  }
0x46: {  	_ =	shalt  }
0x47: {  	_ =	shalt  }
0x48: {  	_ =	shalt  }
0x49: {  	_ =	shalt  }
0x4a: {  	_ =	shalt  }
0x4b: {  	_ =	shalt  }
0x4c: {  	_ =	shalt  }
0x4d: {  	_ =	shalt  }
0x4e: {  	_ =	shalt  }
0x4f: {  	_ =	shalt  }
0x50: {  	_ =	shalt  }
0x51: {  	_ =	shalt  }
0x52: {  	_ =	shalt  }
0x53: {  	_ =	shalt  }
0x54: {  	_ =	shalt  }
0x55: {  	_ =	shalt  }
0x56: {  	_ =	shalt  }
0x57: {  	_ =	shalt  }
0x58: {  	_ =	shalt  }
0x59: {  	_ =	shalt  }
0x5a: {  	_ =	shalt  }
0x5b: {  	_ =	shalt  }
0x5c: {  	_ =	shalt  }
0x5d: {  	_ =	shalt  }
0x5e: {  	_ =	shalt  }
0x5f: {  	_ =	shalt  }
0x60: {  	_ =	shalt  }
0x61: {  	_ =	shalt  }
0x62: {  	_ =	shalt  }
0x63: {  	_ =	shalt  }
0x64: {  	_ =	shalt  }
0x65: {  	_ =	shalt  }
0x66: {  	_ =	shalt  }
0x67: {  	_ =	shalt  }
0x68: {  	_ =	shalt  }
0x69: {  	_ =	shalt  }
0x6a: {  	_ =	shalt  }
0x6b: {  	_ =	shalt  }
0x6c: {  	_ =	shalt  }
0x6d: {  	_ =	shalt  }
0x6e: {  	_ =	shalt  }
0x6f: {  	_ =	shalt  }
0x70: {  	_ =	shalt  }
0x71: {  	_ =	shalt  }
0x72: {  	_ =	shalt  }
0x73: {  	_ =	shalt  }
0x74: {  	_ =	shalt  }
0x75: {  	_ =	shalt  }
0x76: {  	_ =	shalt  }
0x77: {  	_ =	shalt  }
0x78: {  	_ =	shalt  }
0x79: {  	_ =	shalt  }
0x7a: {  	_ =	shalt  }
0x7b: {  	_ =	shalt  }
0x7c: {  	_ =	shalt  }
0x7d: {  	_ =	shalt  }
0x7e: {  	_ =	shalt  }
0x7f: {  	_ =	shalt  }
0x80: {  	_ =	shalt  }
0x81: {  	_ =	shalt  }
0x82: {  	_ =	shalt  }
0x83: {  	_ =	shalt  }
0x84: {  	_ =	shalt  }
0x85: {  	_ =	shalt  }
0x86: {  	_ =	shalt  }
0x87: {  	_ =	shalt  }
.Lfunc_end0:
.L_simem_size_0:
called_computation_lowered:
.L_overlay_start_0:
0x88: {  	s2 =	sld [smem:$0x3FD9]  }
0x89: {  	s3 =	sld [smem:$0x3FFE];
	_ =	sdelay $0x1  }
0x8a: {  	s1 =	srdreg.scid  }
0x8b: {  	s0 =	sand.u32 $0x1, s1  }
0x8c: {  	s16 =	sshll.u32 s0, $0xA;
	s2 =	sadd.s32 s3, s2  }
0x8d: {  	s2 =	sadd.s32 s2, s16  }
0x8e: {  	[smem:$0x3FC0] =	sst s2  }
0x8f: {  	_ = 	snop  }
0x90: {  	(tm) =	ssettm $0x1  }
0x91: {  	s17 =	sld [smem:$0x3FFB];
	_ =	sdelay $0x3  }
0x92: {  	_ =	strace s17  }
0x93: {  	s2 =	sld [smem:$0x3FFC];
	_ =	sdelay $0x3  }
0x94: {  	_ =	strace s2  }
0x95: {  	s2 =	sld [smem:$0x3FFD];
	_ =	sdelay $0x3  }
0x96: {  	_ =	strace s2  }
0x97: {  	_ =	strace $0x8FFFFFFF  }
0x98: {  	s18 =	sld [smem:$0x3FDB];
	_ =	sdelay $0x1  }
0x99: {  	s19 =	simm.s32 $_scs_section_size  }
0x9a: {  	s4 =	simm.s32 $_size__tile_overlayer_lowered;
	s5 =	simm.s32 $_tile_overlayer_lowered  }
0x9b: {  	s22 =	simm.s32 $0x1BFF;
	s21 =	sshll.u32 s5, $0x1;
	s2 =	sadd.s32 s19, s18  }
0x9c: {  	s6 =	simm.s32 $0x0;
	s20 =	sshll.u32 s4, $0x1;
	s4 =	sadd.s32 s21, s2  }
0x9d: {  	[timem:s6], [sflag:s22] =	dma.local [hbm:s4], s20  }
0x9e: {  	_ =	swait.ge [sflag:s22], s20  }
0x9f: {  	s3 =	ssub.s32 $0x0, s20;
	[sflag:s22] =	ssyncset.done $0x0  }
0xa0: {  	[sflag:s22] =	ssyncadd.s32 s3;
	_ =	sdelay $0x1  }
0xa1: {  	s23 =	simm.s32 $0x1B8B  }
0xa2: {  	_ =	swait.ge [sflag:s23], $0x1  }
0xa3: {  	[sflag:s23] =	ssyncset.done $0x0  }
0xa4: {  	s25 =	simm.s32 $0x1B8E;
	s24 =	sld [smem:$0x3FFE];
	[sflag:s23] =	ssyncadd.s32 $0xFFFFFFFF  }
0xa5: {  	s26 =	simm.s32 $execute0_lowered;
	[smem:$0x3FD2] =	sst s25  }
0xa6: {  	s4 =	sshll.u32 s26, $0x1;
	_ =	strace $0x80000046;
	[dreg:$0x1] =	wrdreg $0xFFFFFFFF  }
0xa7: {  	s28 =	simm.s32 $_size_execute0_lowered;
	s2 =	sadd.s32 s2, s4;
	[dreg:$0x0] =	wrdreg $0x0  }
0xa8: {  	s4 =	sshll.u32 s28, $0x1;
	[dreg:$0x2] =	wrdreg s2  }
0xa9: {  	[dreg:$0x3] =	wrdreg s4  }
0xaa: {  	[dreg:$0x4] =	wrdreg $0xC0  }
0xab: {  	_ =	task [dreg:s6], $0x5FFFF  }
0xac: {  	[dreg:$0x1] =	wrdreg $0xFFFFFFFF  }
0xad: {  	[dreg:$0x0] =	wrdreg $0x60  }
0xae: {  	[dreg:$0x2] =	wrdreg s24  }
0xaf: {  	[dreg:$0x3] =	wrdreg $0xF2400  }
0xb0: {  	[dreg:$0x4] =	wrdreg $0x9  }
0xb1: {  	_ =	task.clear_ibuf [dreg:s6], $0x5FFFF;
	_ =	strace $0x90000046  }
0xb2: {  	s29 =	simm.s32 $0x9;
	_ =	strace $0x80000048  }
0xb3: {  	_ =	swait.ge [sflag:s29], $0x1  }
0xb4: {  	[sflag:s29] =	ssyncadd.s32 $0xFFFFFFFF  }
0xb5: {  	_ =	strace $0x90000048  }
0xb6: {  	_ =	sfence  }
0xb7: {  	s30 =	sld [smem:$0x0];
	_ =	sdelay $0x2  }
0xb8: {  	s31 =	sshll.u32 s1, $0xD;
	s1 =	sshrl.u32 s1, $0x2  }
0xb9: {  	s3 =	sand.u32 $0x4000, s31;
	s1 =	sadd.s32 s1, s30  }
0xba: {  	s0 =	sor.u32 s3, s0;
	s1 =	sshll.u32 s1, $0x11  }
0xbb: {  	s0 =	sor.u32 s1, s0  }
0xbc: {  	s0 =	sadd.s32 $0x8F2B, s0  }
0xbd: {  	[sflag:s0] =	ssyncadd.remote.s32 $0x1  }
0xbe: {  	_ =	sfence.sel $0xFFFF  }
0xbf: {  	[dreg:$0x0] =	wrdreg $0xFFFFFFFF;
	(pc) =	sbr.abs _section_cstart, $3  }
0xc0: {  	[dreg:$0x1] =	wrdreg $0xFFFFFFFF  }
0xc1: {  	_ =	task.clear_ibuf [dreg:s6], $0x2FFFF;
	_ =	strace $0x9FFFFFFF  }
0xc2: {  	(tm) =	ssettm $0x7FFFFFFF  }
0xc3: {  	_ =	shalt  }
tec
execute0_lowered:
.L_overlay_start_1:
0x0: {  	(tag) =	ssettag $0x1  }
0x1: {  	s7 =	rddreg [dreg:$0x0]  }
0x2: {  	s1 =	rddreg [dreg:$0x1]  }
0x3: {  	s0 =	rddreg [dreg:$0x2]  }
0x4: {  	s3 =	srdreg.scid;
	s14 =	stileid.u32  }
0x5: {  	s2 =	simm.s32 $0x0;
	s18 =	simm.s32 $0x4E30;
	s20 =	simm.s32 $0x1  }
0x6: {  	s21 =	simm.s32 $0x7B30;
	s22 =	simm.s32 $0x280;
	s10 =	smul.u32 $0x280, s14  }
0x7: {  	s12 =	sand.u32 $0x1, s3;
	[smem:$0x7FF] =	sst s2;
	s17 =	smul.u32 $0x500, s14  }
0x8: {  	s4 =	sshll.u32 s14, $0x1;
	s3 =	sadd.s32 $0x1A00, s7;
	s31 =	smul.u32 $0x14, s14  }
0x9: {  	p0 =	sne.s32 s14, $0x0;
	s14 =	simm.s32 $0xA240;
	s5 =	smul.u32 $0x2800, s12  }
0xa: {  	_ =	strace $0x80000047;
	s6 =	sor.u32 s12, s4;
	s15 =	smul.u32 $0x5000, s12  }
0xb: {  	s4 =	sadd.s32 $0x2000, s7;
	s26 =	ssub.s32 $0x2, s12;
	s9 =	smul.u32 $0x2710, s6  }
0xc: {  	s30 =	smul.u32 $0x140, s12;
	s19 =	sshrl.u32 @!p0 s1, $0x3;
	s6 =	sadd.s32 $0x16200, s7  }
0xd: {  	s28 =	sshrl.u32 s26, $0x1;
	s8 =	sadd.s32 s10, s5;
	s25 =	sshrl.u32 s9, $0x3  }
0xe: {  	s5 =	sadd.s32 $0x2600, s7;
	s8 =	sshrl.u32 s8, $0x3;
	s13 =	sadd.s32 s25, s7  }
0xf: {  	s29 =	sadd.s32 s17, s15;
	s11 =	sadd.s32 s8, s7;
	s7 =	sadd.s32 $0x2800, s13  }
0x10: {  	s8 =	sadd.s32 $0xC440, s13;
	s9 =	sadd.s32 $0x17200, s13;
	s13 =	sshrl.u32 s29, $0x2  }
0x11: {  	s16 =	ssub.s32 s26, s28;
	s10 =	sadd.s32 s10, s1;
	s25 =	sadd.s32 $0x4E30, s13  }
0x12: {  	s15 =	simm.s32 $0xCA40;
	s17 =	simm.s32 $0x4E20;
	s24 =	sadd.s32 $0xCA40, s13;
	v3 =	vmov s25  }
0x13: {  	s26 =	simm.s32 $0x0;
	s12 =	smax.u32 s16, $0x1;
	s23 =	sadd.s32 $0xA240, s13;
	v2 =	vmov s24  }
0x14: {  	s16 =	simm.s32 $0x2710;
	s11 =	sadd.s32 $0x16800, s11;
	s13 =	sadd.s32 s31, s30;
	v0 =	vmov s23  }
0x15: {  	v1 =	vlaneseq.u32;
	s23 =	simm.s32 $0x7630;
	s24 =	simm.s32 $0x2;
	s25 =	simm.s32 $0x78B0  }
.LBB2_1:
0x16: {  	[tilespmem:s14], [sflag:$0x1] =	stream.linear.gather [hbm4b:s3+s2], $0x2800, $0x38;
	[tilespmem:$0xF4C0] =	vst v63  }
0x17: {  	_ = 	snop  }
0x18: {  	[tilespmem:s15], [sflag:$0x1] =	stream.linear.gather [hbm4b:s4+s2], $0x2800, $0x38;
	[tilespmem:$0xF4C0] =	vst v63  }
0x19: {  	_ = 	snop  }
0x1a: {  	[tilespmem:s2], [sflag:$0x1] =	stream.linear.gather [hbm4b:s7+s2], $0x2710, $0x38;
	[tilespmem:$0xF4C0] =	vst v63  }
0x1b: {  	_ = 	snop  }
0x1c: {  	[tilespmem:s16], [sflag:$0x1] =	stream.linear.gather [hbm4b:s8+s2], $0x2710, $0x38;
	[tilespmem:$0xF4C0] =	vst v63  }
0x1d: {  	_ = 	snop  }
0x1e: {  	[tilespmem:s17], [sflag:$0x1] =	stream.linear.gather [hbm4b:s5+s2], $0x10, $0x38;
	[tilespmem:$0xF4C0] =	vst v63  }
0x1f: {  	s28 =	simm.s32 @!p0 $0x1C01  }
0x20: {  	[tilespmem:s18], [sflag:$0x1] =	stream.linear.gather [hbm4b:s6+s2], $0x2800, $0x38;
	[tilespmem:$0xF4C0] =	vst v63  }
0x21: {  	[spmem:s19], [sflag:s28] =	dma.local @!p0 [hbm:s6], $0x500  }
0x22: {  	s28 =	simm.s32 @!p0 $0x1  }
0x23: {  	_ =	swait.ge @!p0 [sflag:s28], $0x500  }
0x24: {  	[sflag:s28] =	ssyncset.done @!p0 $0x0  }
0x25: {  	v4 =	vor.u32 s2, v1;
	[sflag:s28] =	ssyncadd.s32 @!p0 $0xFFFFFB00  }
0x26: {  	s29 =	simm.s32 $0x7630;
	s28 =	simm.s32 $0x10;
	[tilespmem:s23+$0x0] =	vst v4  }
.LBB2_2:
0x27: {  	p1 =	sne.s32 s28, $0x270  }
.Ltmp0:
0x28: {  	_ = 	snop;
	(pc) =	sbr.rel @p1 .LBB2_2-.Ltmp0, $3  }
0x29: {  	_ =	sdelay $0x1  }
0x2a: {  	v4 =	vor.u32 s28, v1;
	s28 =	sadd.s32 $0x10, s28;
	s29 =	sadd.s32 $0x10, s29  }
0x2b: {  	[tilespmem:s29+$0x0] =	vst v4  }
0x2c: {  	_ =	swait.ge [sflag:s20], $0x2800  }
0x2d: {  	[sflag:s20] =	ssyncset.done $0x0  }
0x2e: {  	[sflag:s20] =	ssyncadd.s32 $0xFFFFD800  }
0x2f: {  	_ =	swait.ge [sflag:s20], $0x2800  }
0x30: {  	[sflag:s20] =	ssyncset.done $0x0  }
0x31: {  	[sflag:s20] =	ssyncadd.s32 $0xFFFFD800  }
0x32: {  	_ =	swait.ge [sflag:s20], $0x2710  }
0x33: {  	[sflag:s20] =	ssyncset.done $0x0  }
0x34: {  	[sflag:s20] =	ssyncadd.s32 $0xFFFFD8F0  }
0x35: {  	_ =	swait.ge [sflag:s20], $0x2710  }
0x36: {  	[sflag:s20] =	ssyncset.done $0x0  }
0x37: {  	[sflag:s20] =	ssyncadd.s32 $0xFFFFD8F0  }
0x38: {  	_ =	swait.ge [sflag:s20], $0x10  }
0x39: {  	[sflag:s20] =	ssyncset.done $0x0  }
0x3a: {  	[sflag:s20] =	ssyncadd.s32 $0xFFFFFFF0  }
0x3b: {  	_ =	swait.ge [sflag:s20], $0x2800  }
0x3c: {  	[sflag:s20] =	ssyncset.done $0x0  }
0x3d: {  	[sflag:s20] =	ssyncadd.s32 $0xFFFFD800  }
0x3e: {  	[bflag:$0x0] =	sbarrier.arrive $0xFFFF  }
0x3f: {  	s28 =	simm.s32 $0x0;
	v4 =	vld [tilespmem:$0x4E20]  }
.LBB2_4:
0x40: {  	s29 =	sshra.s32 s28, $0x2  }
0x41: {  	v5 =	vld [tilespmem:s29+$0x0]  }
0x42: {  	v6 =	vld [tilespmem:s29+$0x2710];
	_ =	sdelay $0x6  }
0x43: {  	v5 =	vld.idx.msk [tilespmem:v5+s14+$0x0], $0xffff  }
0x44: {  	v7 =	vld.idx.msk [tilespmem:v6+s15+$0x0], $0xffff;
	_ =	sdelay $0x4  }
0x45: {  	v5 =	vadd.f32 v7, v5;
	_ =	sdelay $0x1  }
0x46: {  	v5 =	vsub.f32 v5, v4;
	_ =	sdelay $0x1  }
0x47: {  	v5 =	vmul.f32 $1.442695020e+00, v5;
	_ =	sdelay $0x1  }
0x48: {  	(erf) = vpow2.f32 v5;
	_ =	sdelay $0x8  }
0x49: {  	v5 =	vpop (erf)  }
0x4a: {  	[tilespmem:s29+$0x7B30] =	vst v5  }
0x4b: {  	[tilespmem:v6+s18+$0x0] =	vst.idx.add.f32.msk $0xffff, v5  }
0x4c: {  	v5 =	vld [tilespmem:s29+$0x10]  }
0x4d: {  	v6 =	vld [tilespmem:s29+$0x2720];
	_ =	sdelay $0x6  }
0x4e: {  	v5 =	vld.idx.msk [tilespmem:v5+s14+$0x0], $0xffff  }
0x4f: {  	v7 =	vld.idx.msk [tilespmem:v6+s15+$0x0], $0xffff;
	_ =	sdelay $0x4  }
0x50: {  	v5 =	vadd.f32 v7, v5;
	_ =	sdelay $0x1  }
0x51: {  	v5 =	vsub.f32 v5, v4;
	_ =	sdelay $0x1  }
0x52: {  	v5 =	vmul.f32 $1.442695020e+00, v5;
	_ =	sdelay $0x1  }
0x53: {  	(erf) = vpow2.f32 v5;
	_ =	sdelay $0x8  }
0x54: {  	v5 =	vpop (erf)  }
0x55: {  	[tilespmem:s29+$0x7B40] =	vst v5  }
0x56: {  	[tilespmem:v6+s18+$0x0] =	vst.idx.add.f32.msk $0xffff, v5  }
0x57: {  	v5 =	vld [tilespmem:s29+$0x20]  }
0x58: {  	v6 =	vld [tilespmem:s29+$0x2730];
	_ =	sdelay $0x6  }
0x59: {  	v5 =	vld.idx.msk [tilespmem:v5+s14+$0x0], $0xffff  }
0x5a: {  	v7 =	vld.idx.msk [tilespmem:v6+s15+$0x0], $0xffff;
	_ =	sdelay $0x4  }
0x5b: {  	v5 =	vadd.f32 v7, v5;
	_ =	sdelay $0x1  }
0x5c: {  	v5 =	vsub.f32 v5, v4;
	_ =	sdelay $0x1  }
0x5d: {  	v5 =	vmul.f32 $1.442695020e+00, v5;
	_ =	sdelay $0x1  }
0x5e: {  	(erf) = vpow2.f32 v5;
	_ =	sdelay $0x8  }
0x5f: {  	v5 =	vpop (erf)  }
0x60: {  	[tilespmem:s29+$0x7B50] =	vst v5  }
0x61: {  	[tilespmem:v6+s18+$0x0] =	vst.idx.add.f32.msk $0xffff, v5  }
0x62: {  	v5 =	vld [tilespmem:s29+$0x30]  }
0x63: {  	v6 =	vld [tilespmem:s29+$0x2740];
	_ =	sdelay $0x6  }
0x64: {  	v5 =	vld.idx.msk [tilespmem:v5+s14+$0x0], $0xffff  }
0x65: {  	v7 =	vld.idx.msk [tilespmem:v6+s15+$0x0], $0xffff;
	_ =	sdelay $0x4  }
0x66: {  	v5 =	vadd.f32 v7, v5;
	_ =	sdelay $0x1  }
0x67: {  	v5 =	vsub.f32 v5, v4;
	_ =	sdelay $0x1  }
0x68: {  	v5 =	vmul.f32 $1.442695020e+00, v5;
	_ =	sdelay $0x1  }
0x69: {  	(erf) = vpow2.f32 v5;
	_ =	sdelay $0x8  }
0x6a: {  	v5 =	vpop (erf)  }
0x6b: {  	[tilespmem:s29+$0x7B60] =	vst v5  }
0x6c: {  	[tilespmem:v6+s18+$0x0] =	vst.idx.add.f32.msk $0xffff, v5  }
0x6d: {  	v5 =	vld [tilespmem:s29+$0x40]  }
0x6e: {  	v6 =	vld [tilespmem:s29+$0x2750];
	_ =	sdelay $0x6  }
0x6f: {  	v5 =	vld.idx.msk [tilespmem:v5+s14+$0x0], $0xffff  }
0x70: {  	v7 =	vld.idx.msk [tilespmem:v6+s15+$0x0], $0xffff;
	_ =	sdelay $0x4  }
0x71: {  	v5 =	vadd.f32 v7, v5;
	_ =	sdelay $0x1  }
0x72: {  	v5 =	vsub.f32 v5, v4;
	_ =	sdelay $0x1  }
0x73: {  	v5 =	vmul.f32 $1.442695020e+00, v5;
	_ =	sdelay $0x1  }
0x74: {  	(erf) = vpow2.f32 v5;
	_ =	sdelay $0x5  }
0x75: {  	p1 =	sne.s32 s28, $0x9B00  }
.Ltmp1:
0x76: {  	_ = 	snop;
	(pc) =	sbr.rel @p1 .LBB2_4-.Ltmp1, $4  }
0x77: {  	_ = 	snop  }
0x78: {  	v5 =	vpop (erf)  }
0x79: {  	[tilespmem:s29+$0x7B70] =	vst v5  }
0x7a: {  	s28 =	sadd.s32 $0x140, s28;
	[tilespmem:v6+s18+$0x0] =	vst.idx.add.f32.msk $0xffff, v5  }
0x7b: {  	_ = 	snop  }
0x7c: {  	s28 =	simm.s32 $0x0;
	p2 =	sgt.u32 s13, $0x270  }
0x7d: {  	[hbm4b:s9+s28] =	stream.linear.scatter [tilespmem:s21], [sflag:$0x1], $0x2710, $0x38;
	[tilespmem:$0xF4C0] =	vst v63  }
0x7e: {  	s28 =	simm.s32 @!p2 $0x0;
	p1 =	por p2, p2  }
0x7f: {  	v5 =	vld.idx.msk @!p1 [tilespmem:v2+s28+$0x0 ss:$0x1], $0xffff  }
0x80: {  	v6 =	vld.idx.msk @!p1 [tilespmem:v0+s28+$0x0 ss:$0x1], $0xffff;
	_ =	sdelay $0x4  }
0x81: {  	v5 =	vadd.f32 @!p1 v5, v6;
	_ =	sdelay $0x1  }
0x82: {  	v5 =	vsub.f32 @!p1 v5, v4;
	_ =	sdelay $0x1  }
0x83: {  	v5 =	vmul.f32 @!p1 $1.442695020e+00, v5;
	_ =	sdelay $0x1  }
0x84: {  	(erf) = vpow2.f32 @!p1 v5;
	_ =	sdelay $0x4  }
0x85: {  	v5 =	vld.idx.msk @!p1 [tilespmem:v3+s28+$0x0 ss:$0x1], $0xffff;
	_ =	sdelay $0x3  }
0x86: {  	v6 =	vpop @!p2 (erf)  }
0x87: {  	s29 =	simm.s32 $0x40;
	s30 =	sadd.s32 $0x1, s13;
	v5 =	vadd.f32 @!p1 v6, v5  }
.LBB2_6:
0x88: {  	p2 =	sgt.u32 s30, $0x270  }
0x89: {  	[tilespmem:v3+s28+$0x0 ss:$0x1] =	vst.idx.msk @!p1 $0xffff, v5;
	s28 =	sshra.s32 @!p2 s29, $0x2;
	s29 =	sadd.s32 $0x40, s29;
	p1 =	por p2, p2  }
0x8a: {  	v5 =	vld.idx.msk @!p1 [tilespmem:v2+s28+$0x0 ss:$0x1], $0xffff;
	p3 =	sne.s32 s29, $0x500  }
0x8b: {  	v6 =	vld.idx.msk @!p1 [tilespmem:v0+s28+$0x0 ss:$0x1], $0xffff;
	_ =	sdelay $0x5  }
0x8c: {  	v5 =	vadd.f32 @!p1 v5, v6;
	_ =	sdelay $0x1  }
0x8d: {  	v5 =	vsub.f32 @!p1 v5, v4;
	_ =	sdelay $0x1  }
0x8e: {  	v5 =	vmul.f32 @!p1 $1.442695020e+00, v5;
	_ =	sdelay $0x1  }
0x8f: {  	(erf) = vpow2.f32 @!p1 v5;
	_ =	sdelay $0x3  }
0x90: {  	v5 =	vld.idx.msk @!p1 [tilespmem:v3+s28+$0x0 ss:$0x1], $0xffff;
	_ =	sdelay $0x1  }
.Ltmp2:
0x91: {  	(pc) =	sbr.rel @p3 .LBB2_6-.Ltmp2, $3  }
0x92: {  	_ =	sdelay $0x1  }
0x93: {  	v6 =	vpop @!p2 (erf)  }
0x94: {  	s30 =	sadd.s32 $0x1, s30;
	v5 =	vadd.f32 @!p1 v6, v5  }
0x95: {  	_ =	sdelay $0x3  }
0x96: {  	[tilespmem:v3+s28+$0x0 ss:$0x1] =	vst.idx.msk @!p1 $0xffff, v5  }
0x97: {  	_ =	swait.ge [sflag:s20], $0x2710  }
0x98: {  	[sflag:s20] =	ssyncset.done $0x0  }
0x99: {  	[sflag:s20] =	ssyncadd.s32 $0xFFFFD8F0  }
0x9a: {  	[spmem:s1] =	stream.indirect.scatter.add.f32 [tilespmem:s18], [sflag:$0x2], $0x10, s23, s22, $0xb8;
	[tilespmem:$0xF4C0] =	vst v63  }
0x9b: {  	_ =	swait.ge [sflag:s24], $0x2800  }
0x9c: {  	[sflag:s24] =	ssyncset.done $0x0  }
0x9d: {  	[sflag:s24] =	ssyncadd.s32 $0xFFFFD800  }
0x9e: {  	[bflag:$0x0] =	sbarrier.arrive $0xFFFF  }
0x9f: {  	[tilespmem:s25], [sflag:$0x2] =	stream.linear.gather [spmem:s10], $0x280, $0x38;
	[tilespmem:$0xF4C0] =	vst v63  }
0xa0: {  	s26 =	sadd.s32 $0x1, s26;
	_ =	swait.ge [sflag:s24], $0x280  }
0xa1: {  	p1 =	sne.s32 s26, s12;
	[sflag:s24] =	ssyncset.done $0x0  }
.Ltmp3:
0xa2: {  	[sflag:s24] =	ssyncadd.s32 $0xFFFFFD80;
	(pc) =	sbr.rel @p1 .LBB2_1-.Ltmp3, $4  }
0xa3: {  	[hbm4b:s11+s2] =	stream.linear.scatter [tilespmem:s25], [sflag:$0x2], $0x280, $0x38;
	[tilespmem:$0xF4C0] =	vst v63  }
0xa4: {  	_ =	swait.ge [sflag:s24], $0x280  }
0xa5: {  	[sflag:s24] =	ssyncset.done $0x0  }
0xa6: {  	[sflag:s24] =	ssyncadd.s32 $0xFFFFFD80  }
0xa7: {  	_ =	sfence.sel $0x180000  }
0xa8: {  	[bflag:$0x0] =	sbarrier.arrive $0xFFFF  }
0xa9: {  	_ =	strace $0x90000047  }
0xaa: {  	s0 =	sadd.s32 @!p0 $0x100000, s0;
	[bflag:$0x2] =	sbarrier.arrive $0xFFFF  }
0xab: {  	[sflag:s0] =	ssyncadd.tile.s32 @!p0 $0x1;
	_ =	shalt  }
.Lfunc_end2:
_tile_overlayer_lowered:
.L_overlay_start_2:
0xac: {  	(tag) =	ssettag $0x2  }
0xad: {  	s0 =	rddreg [dreg:$0x0];
	s2 =	stileid.u32  }
0xae: {  	s1 =	rddreg [dreg:$0x1];
	p0 =	sne.s32 s2, $0x0  }
0xaf: {  	s3 =	rddreg [dreg:$0x2];
	[bflag:$0x3] =	sbarrier.arrive $0xFFFF;
	s2 =	simm.s32 @!p0 $0x1C02  }
0xb0: {  	[timem:s3], [sflag:s2] =	dma.local @!p0 [hbm:s0], s1  }
0xb1: {  	s0 =	simm.s32 @!p0 $0x2  }
0xb2: {  	_ =	swait.ge @!p0 [sflag:s0], s1  }
0xb3: {  	s1 =	ssub.s32 @!p0 $0x0, s1;
	[sflag:s0] =	ssyncset.done @!p0 $0x0  }
0xb4: {  	[sflag:s0] =	ssyncadd.s32 @!p0 s1  }
0xb5: {  	[bflag:$0x3] =	sbarrier.arrive $0xFFFF  }
0xb6: {  	_ =	shalt  }

// kernel: kernel.9.cloned.1.call-start
scs
__scs_entry_jumppad:
0x0: {  	(pc) =	sbr.rel $0x88, $3  }
0x1: {  	(tag) =	ssettag $0x0;
	lr =	simm.s32 $0x1  }
0x2: {  	[smem:$0x3F99] =	sst lr;
	_ =	strace $0xD0000000  }
0x3: {  	_ = 	snop  }
0x4: {  	_ = 	snop  }
0x5: {  	_ = 	snop  }
0x6: {  	_ = 	snop  }
0x7: {  	_ = 	snop  }
__scs_overlays_trampoline_lowered:
0x8: {  	[smem:$0x3FA8] =	sst s0  }
0x9: {  	[smem:$0x3FA9] =	sst s1  }
0xa: {  	[smem:$0x3FAA] =	sst s2  }
0xb: {  	[smem:$0x3FAB] =	sst s3  }
0xc: {  	[smem:$0x3FAC] =	sst s4  }
0xd: {  	[smem:$0x3FAD] =	sst s5  }
0xe: {  	[smem:$0x3FAE] =	sst s6  }
0xf: {  	[smem:$0x3FAF] =	sst s7  }
0x10: {  	[smem:$0x3FB0] =	sst s8  }
0x11: {  	[smem:$0x3FB1] =	sst s9;
	s0 =	simm.s32 @!p0 $0x0  }
0x12: {  	s1 =	sld [smem:$0x3F97];
	s0 =	simm.s32 @p0 $0x1  }
0x13: {  	[smem:$0x3FB2] =	sst s0;
	s0 =	simm.s32 @!p1 $0x0  }
0x14: {  	s2 =	sld [smem:$0x3F96];
	s0 =	simm.s32 @p1 $0x1  }
0x15: {  	[smem:$0x3FB3] =	sst s0;
	s0 =	simm.s32 @!p2 $0x0  }
0x16: {  	s3 =	sld [smem:$0x3FDB];
	s0 =	simm.s32 @p2 $0x1  }
0x17: {  	s4 =	simm.s32 $0x1BF5;
	[smem:$0x3FB5] =	sst s0  }
0x18: {  	s0 =	sld [smem:$0x3F98];
	_ =	swait.ge [sflag:s4], $0x0  }
0x19: {  	s7 =	sld [smem:$0x3F99]  }
0x1a: {  	s8 =	sadd.s32 $0xFFFFE003, lr  }
0x1b: {  	s9 =	sadd.s32 $0xFFFFFEF7, lr;
	s5 =	simm.s32 $0xFFFFFFFF;
	p2 =	slt.u32 s8, $0xFFFFF086  }
0x1c: {  	p1 =	slt.u32 s9, $0xF7A;
	s5 =	simm.s32 @!p2 $0x0  }
0x1d: {  	s5 =	simm.s32 @p1 $0x1;
	p0 =	seq.s32 s7, s2  }
0x1e: {  	s7 =	smul.u32 @!p0 $0xF7A, s2;
	p2 =	seq.s32 @!p0 s5, $0x0  }
0x1f: {  	s9 =	smul.u32 $0xF7A, s1;
	s8 =	simm.s32 @!p0 $0x1BF5;
	p2 =	por !p2, p0  }
0x20: {  	[sflag:s8] =	ssyncset.s32 @!p0 $0xFFFFF086;
	s6 =	sadd.s32 @!p0 s3, s7;
	s7 =	simm.s32 @!p0 $0x108  }
0x21: {  	s3 =	sadd.s32 s3, s9;
	s6 =	sadd.s32 @!p0 $0x88, s6;
	s7 =	simm.s32 @p2 $0x1082  }
0x22: {  	[simem:s7], [sflag:s8] =	dma.local @!p0 [hbm:s6], $0xF7A  }
0x23: {  	s9 =	sor.u32 $0xD0000000, s2;
	s6 =	simm.s32 $0x108;
	_ =	swait.ge @!p0 [sflag:s8], $0x0  }
0x24: {  	s3 =	sadd.s32 $0x88, s3;
	s6 =	simm.s32 @!p1 $0x1082;
	[sflag:s4] =	ssyncset.s32 $0xFFFFF086  }
0x25: {  	[simem:s6], [sflag:s4] =	dma.local [hbm:s3], $0xF7A  }
0x26: {  	[smem:$0x3F99] =	sst s1;
	(tag) =	ssettag s2;
	_ =	strace s9  }
0x27: {  	s1 =	sld [smem:$0x3FA9]  }
0x28: {  	s2 =	sld [smem:$0x3FAA]  }
0x29: {  	s4 =	sld [smem:$0x3FAC]  }
0x2a: {  	p0 =	seq.s32 s5, $0x0;
	s5 =	sld [smem:$0x3FAD]  }
0x2b: {  	s6 =	sld [smem:$0x3FAE]  }
0x2c: {  	s7 =	sld [smem:$0x3FAF]  }
0x2d: {  	s3 =	simm.s32 $0x108;
	s8 =	sld [smem:$0x3FB0]  }
0x2e: {  	s3 =	simm.s32 @!p0 $0x1082;
	s9 =	sld [smem:$0x3FB1]  }
0x2f: {  	lr =	sadd.s32 s0, s3;
	s0 =	sld [smem:$0x3FA8]  }
0x30: {  	s3 =	sld [smem:$0x3FAB]  }
0x31: {  	[smem:$0x3FB4] =	sst s10  }
0x32: {  	s10 =	sld [smem:$0x3FB2];
	_ =	sdelay $0x3  }
0x33: {  	p0 =	seq.s32 s10, $0x1;
	s10 =	sld [smem:$0x3FB4];
	_ =	sdelay $0x3  }
0x34: {  	[smem:$0x3FB4] =	sst s10  }
0x35: {  	s10 =	sld [smem:$0x3FB3];
	_ =	sdelay $0x3  }
0x36: {  	p1 =	seq.s32 s10, $0x1;
	s10 =	sld [smem:$0x3FB4];
	_ =	sdelay $0x3  }
0x37: {  	[smem:$0x3FB4] =	sst s10  }
0x38: {  	s10 =	sld [smem:$0x3FB5]  }
0x39: {  	_ = 	snop;
	(pc) =	sbr.ind lr, $3  }
0x3a: {  	_ = 	snop  }
0x3b: {  	_ = 	snop  }
0x3c: {  	p2 =	seq.s32 s10, $0x1;
	s10 =	sld [smem:$0x3FB4]  }
0x3d: {  	_ =	shalt  }
0x3e: {  	_ =	shalt  }
0x3f: {  	_ =	shalt  }
0x40: {  	_ =	shalt  }
0x41: {  	_ =	shalt  }
0x42: {  	_ =	shalt  }
0x43: {  	_ =	shalt  }
0x44: {  	_ =	shalt  }
0x45: {  	_ =	shalt  }
0x46: {  	_ =	shalt  }
0x47: {  	_ =	shalt  }
0x48: {  	_ =	shalt  }
0x49: {  	_ =	shalt  }
0x4a: {  	_ =	shalt  }
0x4b: {  	_ =	shalt  }
0x4c: {  	_ =	shalt  }
0x4d: {  	_ =	shalt  }
0x4e: {  	_ =	shalt  }
0x4f: {  	_ =	shalt  }
0x50: {  	_ =	shalt  }
0x51: {  	_ =	shalt  }
0x52: {  	_ =	shalt  }
0x53: {  	_ =	shalt  }
0x54: {  	_ =	shalt  }
0x55: {  	_ =	shalt  }
0x56: {  	_ =	shalt  }
0x57: {  	_ =	shalt  }
0x58: {  	_ =	shalt  }
0x59: {  	_ =	shalt  }
0x5a: {  	_ =	shalt  }
0x5b: {  	_ =	shalt  }
0x5c: {  	_ =	shalt  }
0x5d: {  	_ =	shalt  }
0x5e: {  	_ =	shalt  }
0x5f: {  	_ =	shalt  }
0x60: {  	_ =	shalt  }
0x61: {  	_ =	shalt  }
0x62: {  	_ =	shalt  }
0x63: {  	_ =	shalt  }
0x64: {  	_ =	shalt  }
0x65: {  	_ =	shalt  }
0x66: {  	_ =	shalt  }
0x67: {  	_ =	shalt  }
0x68: {  	_ =	shalt  }
0x69: {  	_ =	shalt  }
0x6a: {  	_ =	shalt  }
0x6b: {  	_ =	shalt  }
0x6c: {  	_ =	shalt  }
0x6d: {  	_ =	shalt  }
0x6e: {  	_ =	shalt  }
0x6f: {  	_ =	shalt  }
0x70: {  	_ =	shalt  }
0x71: {  	_ =	shalt  }
0x72: {  	_ =	shalt  }
0x73: {  	_ =	shalt  }
0x74: {  	_ =	shalt  }
0x75: {  	_ =	shalt  }
0x76: {  	_ =	shalt  }
0x77: {  	_ =	shalt  }
0x78: {  	_ =	shalt  }
0x79: {  	_ =	shalt  }
0x7a: {  	_ =	shalt  }
0x7b: {  	_ =	shalt  }
0x7c: {  	_ =	shalt  }
0x7d: {  	_ =	shalt  }
0x7e: {  	_ =	shalt  }
0x7f: {  	_ =	shalt  }
0x80: {  	_ =	shalt  }
0x81: {  	_ =	shalt  }
0x82: {  	_ =	shalt  }
0x83: {  	_ =	shalt  }
0x84: {  	_ =	shalt  }
0x85: {  	_ =	shalt  }
0x86: {  	_ =	shalt  }
0x87: {  	_ =	shalt  }
.Lfunc_end0:
.L_simem_size_0:
called_computation.1_lowered:
.L_overlay_start_0:
0x88: {  	s2 =	sld [smem:$0x3FD9]  }
0x89: {  	s3 =	sld [smem:$0x3FFE];
	_ =	sdelay $0x1  }
0x8a: {  	s1 =	srdreg.scid  }
0x8b: {  	s0 =	sand.u32 $0x1, s1  }
0x8c: {  	s16 =	sshll.u32 s0, $0xA;
	s2 =	sadd.s32 s3, s2  }
0x8d: {  	s2 =	sadd.s32 s2, s16  }
0x8e: {  	[smem:$0x3FC0] =	sst s2  }
0x8f: {  	_ = 	snop  }
0x90: {  	(tm) =	ssettm $0x1  }
0x91: {  	s17 =	sld [smem:$0x3FFB];
	_ =	sdelay $0x3  }
0x92: {  	_ =	strace s17  }
0x93: {  	s2 =	sld [smem:$0x3FFC];
	_ =	sdelay $0x3  }
0x94: {  	_ =	strace s2  }
0x95: {  	s2 =	sld [smem:$0x3FFD];
	_ =	sdelay $0x3  }
0x96: {  	_ =	strace s2  }
0x97: {  	_ =	strace $0x8FFFFFFF  }
0x98: {  	s18 =	sld [smem:$0x3FDB];
	_ =	sdelay $0x1  }
0x99: {  	s19 =	simm.s32 $_scs_section_size  }
0x9a: {  	s4 =	simm.s32 $_size__tile_overlayer_lowered;
	s5 =	simm.s32 $_tile_overlayer_lowered  }
0x9b: {  	s22 =	simm.s32 $0x1BFF;
	s21 =	sshll.u32 s5, $0x1;
	s2 =	sadd.s32 s19, s18  }
0x9c: {  	s6 =	simm.s32 $0x0;
	s20 =	sshll.u32 s4, $0x1;
	s4 =	sadd.s32 s21, s2  }
0x9d: {  	[timem:s6], [sflag:s22] =	dma.local [hbm:s4], s20  }
0x9e: {  	_ =	swait.ge [sflag:s22], s20  }
0x9f: {  	s3 =	ssub.s32 $0x0, s20;
	[sflag:s22] =	ssyncset.done $0x0  }
0xa0: {  	[sflag:s22] =	ssyncadd.s32 s3;
	_ =	sdelay $0x1  }
0xa1: {  	s23 =	simm.s32 $0x1B8B  }
0xa2: {  	_ =	swait.ge [sflag:s23], $0x1  }
0xa3: {  	[sflag:s23] =	ssyncset.done $0x0  }
0xa4: {  	s25 =	simm.s32 $0x1B8E;
	s24 =	sld [smem:$0x3FFE];
	[sflag:s23] =	ssyncadd.s32 $0xFFFFFFFF  }
0xa5: {  	s26 =	simm.s32 $execute0_lowered;
	[smem:$0x3FD2] =	sst s25  }
0xa6: {  	s4 =	sshll.u32 s26, $0x1;
	_ =	strace $0x80000049;
	[dreg:$0x1] =	wrdreg $0xFFFFFFFF  }
0xa7: {  	s28 =	simm.s32 $_size_execute0_lowered;
	s2 =	sadd.s32 s2, s4;
	[dreg:$0x0] =	wrdreg $0x0  }
0xa8: {  	s4 =	sshll.u32 s28, $0x1;
	[dreg:$0x2] =	wrdreg s2  }
0xa9: {  	[dreg:$0x3] =	wrdreg s4  }
0xaa: {  	[dreg:$0x4] =	wrdreg $0xC0  }
0xab: {  	_ =	task [dreg:s6], $0x5FFFF  }
0xac: {  	[dreg:$0x1] =	wrdreg $0xFFFFFFFF  }
0xad: {  	[dreg:$0x0] =	wrdreg $0x60  }
0xae: {  	[dreg:$0x2] =	wrdreg s24  }
0xaf: {  	[dreg:$0x3] =	wrdreg $0x11CC00  }
0xb0: {  	[dreg:$0x4] =	wrdreg $0x9  }
0xb1: {  	_ =	task.clear_ibuf [dreg:s6], $0x5FFFF;
	_ =	strace $0x90000049  }
0xb2: {  	s29 =	simm.s32 $0x9;
	_ =	strace $0x8000004B  }
0xb3: {  	_ =	swait.ge [sflag:s29], $0x1  }
0xb4: {  	[sflag:s29] =	ssyncadd.s32 $0xFFFFFFFF  }
0xb5: {  	_ =	strace $0x9000004B  }
0xb6: {  	_ =	sfence  }
0xb7: {  	s30 =	sld [smem:$0x0];
	_ =	sdelay $0x2  }
0xb8: {  	s31 =	sshll.u32 s1, $0xD;
	s1 =	sshrl.u32 s1, $0x2  }
0xb9: {  	s3 =	sand.u32 $0x4000, s31;
	s1 =	sadd.s32 s1, s30  }
0xba: {  	s0 =	sor.u32 s3, s0;
	s1 =	sshll.u32 s1, $0x11  }
0xbb: {  	s0 =	sor.u32 s1, s0  }
0xbc: {  	s0 =	sadd.s32 $0x8F2B, s0  }
0xbd: {  	[sflag:s0] =	ssyncadd.remote.s32 $0x1  }
0xbe: {  	_ =	sfence.sel $0xFFFF  }
0xbf: {  	[dreg:$0x0] =	wrdreg $0xFFFFFFFF;
	(pc) =	sbr.abs _section_cstart, $3  }
0xc0: {  	[dreg:$0x1] =	wrdreg $0xFFFFFFFF  }
0xc1: {  	_ =	task.clear_ibuf [dreg:s6], $0x2FFFF;
	_ =	strace $0x9FFFFFFF  }
0xc2: {  	(tm) =	ssettm $0x7FFFFFFF  }
0xc3: {  	_ =	shalt  }
tec
execute0_lowered:
.L_overlay_start_1:
0x0: {  	(tag) =	ssettag $0x1  }
0x1: {  	s0 =	srdreg.scid  }
0x2: {  	s16 =	stileid.u32;
	s11 =	rddreg [dreg:$0x0]  }
0x3: {  	s20 =	simm.s32 $0x4E30;
	s22 =	simm.s32 $0xA4C0;
	s23 =	simm.s32 $0xCCC0  }
0x4: {  	s28 =	simm.s32 $0x7630;
	s29 =	simm.s32 $0x2;
	s12 =	smul.u32 $0x280, s16  }
0x5: {  	s30 =	simm.s32 $0x78B0;
	s31 =	simm.s32 $0x0;
	s17 =	smul.u32 $0x500, s16  }
0x6: {  	s0 =	sand.u32 $0x1, s0;
	s3 =	sshll.u32 s16, $0x1;
	s26 =	smul.u32 $0x14, s16  }
0x7: {  	s5 =	sadd.s32 $0x16800, s11;
	p0 =	sne.s32 s16, $0x0;
	s8 =	smul.u32 $0x2800, s0  }
0x8: {  	s1 =	sshll.u32 s0, $0x4;
	s3 =	sor.u32 s0, s3;
	s15 =	smul.u32 $0x5000, s0  }
0x9: {  	s9 =	ssub.s32 $0x2, s0;
	s0 =	smul.u32 $0x140, s0;
	s2 =	sor.u32 s16, s1  }
0xa: {  	s1 =	rddreg [dreg:$0x1];
	s6 =	smul.u32 $0x2710, s3;
	s3 =	sadd.s32 $0x2600, s11  }
0xb: {  	s25 =	sshrl.u32 s9, $0x1;
	s4 =	smul.u32 $0x28, s2;
	s2 =	simm.s32 $0x0  }
0xc: {  	s8 =	sadd.s32 s12, s8;
	s14 =	ssub.s32 s9, s25;
	s15 =	sadd.s32 s17, s15  }
0xd: {  	s12 =	sadd.s32 s12, s1;
	s25 =	simm.s32 $0xF4C0;
	[smem:$0x7FF] =	sst s2  }
0xe: {  	s6 =	sshrl.u32 s6, $0x3;
	s24 =	sshrl.u32 s8, $0x3;
	s15 =	sshrl.u32 s15, $0x2  }
0xf: {  	s14 =	smax.u32 s14, $0x1;
	_ =	strace $0x8000004A;
	s7 =	sadd.s32 s4, s11  }
0x10: {  	s4 =	sadd.s32 $0x16200, s11;
	s10 =	sadd.s32 s6, s11;
	s19 =	sadd.s32 $0x4E30, s15  }
0x11: {  	s13 =	sadd.s32 s24, s11;
	s11 =	sadd.s32 $0x16D00, s11;
	s18 =	sadd.s32 $0xF4C0, s15;
	v0 =	vmov s19  }
0x12: {  	s15 =	sadd.s32 s26, s0;
	s24 =	simm.s32 $0x1;
	s26 =	simm.s32 $0x280  }
0x13: {  	s6 =	sadd.s32 $0x1A00, s7;
	s7 =	sadd.s32 $0x2000, s7;
	s8 =	sadd.s32 $0x2800, s10  }
0x14: {  	v2 =	vlaneseq.u32;
	s9 =	sadd.s32 $0xC440, s10;
	s10 =	sadd.s32 $0x17200, s10;
	s13 =	sadd.s32 $0x21000, s13;
	v1 =	vmov s18  }
.LBB2_1:
0x15: {  	s0 =	simm.s32 $0xA240  }
0x16: {  	[tilespmem:s0], [sflag:$0x1] =	stream.linear.gather [hbm4b:s6+s2], $0x140, $0x38;
	[tilespmem:$0x11F40] =	vst v63  }
0x17: {  	s17 =	simm.s32 $0xA380  }
0x18: {  	[tilespmem:s17], [sflag:$0x1] =	stream.linear.gather [hbm4b:s7+s2], $0x140, $0x38;
	[tilespmem:$0x11F40] =	vst v63  }
0x19: {  	_ = 	snop  }
0x1a: {  	[tilespmem:s2], [sflag:$0x1] =	stream.linear.gather [hbm4b:s8+s2], $0x2710, $0x38;
	[tilespmem:$0x11F40] =	vst v63  }
0x1b: {  	s18 =	simm.s32 $0x2710  }
0x1c: {  	[tilespmem:s18], [sflag:$0x1] =	stream.linear.gather [hbm4b:s9+s2], $0x2710, $0x38;
	[tilespmem:$0x11F40] =	vst v63  }
0x1d: {  	s19 =	simm.s32 $0x4E20  }
0x1e: {  	[tilespmem:s19], [sflag:$0x1] =	stream.linear.gather [hbm4b:s3+s2], $0x10, $0x38;
	[tilespmem:$0x11F40] =	vst v63  }
0x1f: {  	_ = 	snop  }
0x20: {  	[tilespmem:s20], [sflag:$0x1] =	stream.linear.gather [hbm4b:s4+s2], $0x2800, $0x38;
	[tilespmem:$0x11F40] =	vst v63  }
0x21: {  	s21 =	simm.s32 $0x7B30  }
0x22: {  	[tilespmem:s21], [sflag:$0x1] =	stream.linear.gather [hbm4b:s10+s2], $0x2710, $0x38;
	[tilespmem:$0x11F40] =	vst v63  }
0x23: {  	_ = 	snop  }
0x24: {  	[tilespmem:s22], [sflag:$0x1] =	stream.linear.gather [hbm4b:s5+s2], $0x2800, $0x38;
	[tilespmem:$0x11F40] =	vst v63  }
0x25: {  	s16 =	simm.s32 @!p0 $0x1C01;
	s0 =	sshrl.u32 @!p0 s1, $0x3  }
0x26: {  	[tilespmem:s23], [sflag:$0x1] =	stream.linear.gather [hbm4b:s11+s2], $0x2800, $0x38;
	[tilespmem:$0x11F40] =	vst v63  }
0x27: {  	[spmem:s0], [sflag:s16] =	dma.local @!p0 [hbm:s4], $0x500  }
0x28: {  	s0 =	simm.s32 @!p0 $0x1  }
0x29: {  	_ =	swait.ge @!p0 [sflag:s0], $0x500  }
0x2a: {  	[sflag:s0] =	ssyncset.done @!p0 $0x0  }
0x2b: {  	v3 =	vor.u32 s2, v2;
	[sflag:s0] =	ssyncadd.s32 @!p0 $0xFFFFFB00  }
0x2c: {  	s16 =	simm.s32 $0x7630;
	s0 =	simm.s32 $0x10;
	[tilespmem:s28+$0x0] =	vst v3  }
.LBB2_2:
0x2d: {  	p1 =	sne.s32 s0, $0x270  }
.Ltmp0:
0x2e: {  	_ = 	snop;
	(pc) =	sbr.rel @p1 .LBB2_2-.Ltmp0, $3  }
0x2f: {  	_ =	sdelay $0x1  }
0x30: {  	v3 =	vor.u32 s0, v2;
	s0 =	sadd.s32 $0x10, s0;
	s16 =	sadd.s32 $0x10, s16  }
0x31: {  	[tilespmem:s16+$0x0] =	vst v3  }
0x32: {  	_ =	swait.ge [sflag:s24], $0x140  }
0x33: {  	[sflag:s24] =	ssyncset.done $0x0  }
0x34: {  	[sflag:s24] =	ssyncadd.s32 $0xFFFFFEC0  }
0x35: {  	_ =	swait.ge [sflag:s24], $0x140  }
0x36: {  	[sflag:s24] =	ssyncset.done $0x0  }
0x37: {  	[sflag:s24] =	ssyncadd.s32 $0xFFFFFEC0  }
0x38: {  	_ =	swait.ge [sflag:s24], $0x2710  }
0x39: {  	[sflag:s24] =	ssyncset.done $0x0  }
0x3a: {  	[sflag:s24] =	ssyncadd.s32 $0xFFFFD8F0  }
0x3b: {  	_ =	swait.ge [sflag:s24], $0x2710  }
0x3c: {  	[sflag:s24] =	ssyncset.done $0x0  }
0x3d: {  	[sflag:s24] =	ssyncadd.s32 $0xFFFFD8F0  }
0x3e: {  	_ =	swait.ge [sflag:s24], $0x10  }
0x3f: {  	[sflag:s24] =	ssyncset.done $0x0  }
0x40: {  	[sflag:s24] =	ssyncadd.s32 $0xFFFFFFF0  }
0x41: {  	_ =	swait.ge [sflag:s24], $0x2800  }
0x42: {  	[sflag:s24] =	ssyncset.done $0x0  }
0x43: {  	[sflag:s24] =	ssyncadd.s32 $0xFFFFD800  }
0x44: {  	_ =	swait.ge [sflag:s24], $0x2710  }
0x45: {  	[sflag:s24] =	ssyncset.done $0x0  }
0x46: {  	[sflag:s24] =	ssyncadd.s32 $0xFFFFD8F0  }
0x47: {  	_ =	swait.ge [sflag:s24], $0x2800  }
0x48: {  	[sflag:s24] =	ssyncset.done $0x0  }
0x49: {  	[sflag:s24] =	ssyncadd.s32 $0xFFFFD800  }
0x4a: {  	_ =	swait.ge [sflag:s24], $0x2800  }
0x4b: {  	[sflag:s24] =	ssyncset.done $0x0  }
0x4c: {  	[sflag:s24] =	ssyncadd.s32 $0xFFFFD800  }
0x4d: {  	s17 =	simm.s32 $0x0;
	[bflag:$0x0] =	sbarrier.arrive $0xFFFF  }
0x4e: {  	v3 =	vld [tilespmem:s17+$0xA4C0]  }
0x4f: {  	s16 =	simm.s32 $0x10;
	v4 =	vld [tilespmem:s17+$0xCCC0]  }
0x50: {  	v5 =	vld [tilespmem:s16+$0xA4C0]  }
0x51: {  	v6 =	vld [tilespmem:s16+$0xCCC0];
	_ =	sdelay $0x2  }
0x52: {  	v4 =	vadd.f32 v4, v3;
	_ =	sdelay $0x1  }
0x53: {  	v6 =	vadd.f32 v6, v5;
	(erf) = vrcp.f32 v4;
	_ =	sdelay $0x1  }
0x54: {  	s18 =	simm.s32 $0x20;
	v3 =	vld [tilespmem:$0x4E20];
	(erf) = vrcp.f32 v6  }
0x55: {  	v5 =	vld [tilespmem:s18+$0xCCC0]  }
0x56: {  	s0 =	simm.s32 $0x0;
	s19 =	simm.s32 $0xC0;
	v4 =	vld [tilespmem:s18+$0xA4C0]  }
.LBB2_4:
0x57: {  	_ = 	snop  }
0x58: {  	p1 =	sne.s32 s19, $0x9FC0  }
.Ltmp1:
0x59: {  	_ = 	snop;
	(pc) =	sbr.rel @p1 .LBB2_4-.Ltmp1, $4  }
0x5a: {  	_ = 	snop  }
0x5b: {  	s21 =	sshra.s32 s19, $0x2;
	v6 =	vpop (erf);
	v7 =	vadd.f32 v5, v4  }
0x5c: {  	s19 =	sadd.s32 $0x40, s19;
	v4 =	vld [tilespmem:s21+$0xA4C0];
	[tilespmem:s17+$0xF4C0] =	vst v6  }
0x5d: {  	s17 =	smov.u32 s16;
	s16 =	smov.u32 s18;
	s18 =	smov.u32 s21;
	v5 =	vld [tilespmem:s21+$0xCCC0];
	(erf) = vrcp.f32 v7  }
0x5e: {  	_ =	sdelay $0x3  }
0x5f: {  	v4 =	vadd.f32 v5, v4;
	_ =	sdelay $0x1  }
0x60: {  	(erf) = vrcp.f32 v4;
	_ =	sdelay $0x6  }
0x61: {  	v4 =	vpop (erf)  }
0x62: {  	[tilespmem:s17+$0xF4C0] =	vst v4;
	v4 =	vpop (erf)  }
0x63: {  	[tilespmem:s16+$0xF4C0] =	vst v4;
	v4 =	vpop (erf)  }
0x64: {  	[tilespmem:s18+$0xF4C0] =	vst v4  }
.LBB2_6:
0x65: {  	s16 =	sshra.s32 s0, $0x2  }
0x66: {  	v4 =	vld [tilespmem:s16+$0x2710];
	_ =	sdelay $0x5  }
0x67: {  	v5 =	vld [tilespmem:s16+$0x0]  }
0x68: {  	v6 =	vld [tilespmem:s16+$0x7B30]  }
0x69: {  	v4 =	vld.idx.msk [tilespmem:v4+s25+$0x0], $0xffff;
	_ =	sdelay $0x4  }
0x6a: {  	v4 =	vmul.f32 v4, v6;
	_ =	sdelay $0x1  }
0x6b: {  	[tilespmem:v5+s20+$0x0] =	vst.idx.add.f32.msk $0xffff, v4  }
0x6c: {  	v4 =	vld [tilespmem:s16+$0x2720];
	_ =	sdelay $0x5  }
0x6d: {  	v5 =	vld [tilespmem:s16+$0x10]  }
0x6e: {  	v60 =	vld [tilespmem:s16+$0x7B40]  }
0x6f: {  	v4 =	vld.idx.msk [tilespmem:v4+s25+$0x0], $0xffff;
	_ =	sdelay $0x4  }
0x70: {  	v4 =	vmul.f32 v4, v60;
	_ =	sdelay $0x1  }
0x71: {  	[tilespmem:v5+s20+$0x0] =	vst.idx.add.f32.msk $0xffff, v4  }
0x72: {  	v4 =	vld [tilespmem:s16+$0x2730];
	_ =	sdelay $0x5  }
0x73: {  	v5 =	vld [tilespmem:s16+$0x20]  }
0x74: {  	v61 =	vld [tilespmem:s16+$0x7B50]  }
0x75: {  	v4 =	vld.idx.msk [tilespmem:v4+s25+$0x0], $0xffff;
	_ =	sdelay $0x4  }
0x76: {  	v4 =	vmul.f32 v4, v61;
	_ =	sdelay $0x1  }
0x77: {  	[tilespmem:v5+s20+$0x0] =	vst.idx.add.f32.msk $0xffff, v4  }
0x78: {  	v4 =	vld [tilespmem:s16+$0x2740];
	_ =	sdelay $0x5  }
0x79: {  	v5 =	vld [tilespmem:s16+$0x30]  }
0x7a: {  	v62 =	vld [tilespmem:s16+$0x7B60]  }
0x7b: {  	v4 =	vld.idx.msk [tilespmem:v4+s25+$0x0], $0xffff;
	_ =	sdelay $0x4  }
0x7c: {  	v4 =	vmul.f32 v4, v62;
	_ =	sdelay $0x1  }
0x7d: {  	[tilespmem:v5+s20+$0x0] =	vst.idx.add.f32.msk $0xffff, v4  }
0x7e: {  	v4 =	vld [tilespmem:s16+$0x2750];
	_ =	sdelay $0x5  }
0x7f: {  	v5 =	vld [tilespmem:s16+$0x40]  }
0x80: {  	v63 =	vld [tilespmem:s16+$0x7B70]  }
0x81: {  	v4 =	vld.idx.msk [tilespmem:v4+s25+$0x0], $0xffff;
	_ =	sdelay $0x1  }
0x82: {  	p1 =	sne.s32 s0, $0x9B00  }
.Ltmp2:
0x83: {  	_ = 	snop;
	(pc) =	sbr.rel @p1 .LBB2_6-.Ltmp2, $3  }
0x84: {  	_ = 	snop  }
0x85: {  	v4 =	vmul.f32 v4, v63;
	_ =	sdelay $0x1  }
0x86: {  	s0 =	sadd.s32 $0x140, s0;
	[tilespmem:v5+s20+$0x0] =	vst.idx.add.f32.msk $0xffff, v4  }
0x87: {  	p2 =	sgt.u32 s15, $0x270  }
0x88: {  	s0 =	simm.s32 @!p2 $0x0;
	p1 =	por p2, p2  }
0x89: {  	v4 =	vld @!p1 [tilespmem:s0+$0xA380]  }
0x8a: {  	v5 =	vld @!p1 [tilespmem:s0+$0xA240];
	_ =	sdelay $0x4  }
0x8b: {  	v4 =	vadd.f32 @!p1 v4, v5;
	_ =	sdelay $0x1  }
0x8c: {  	v4 =	vsub.f32 @!p1 v4, v3;
	_ =	sdelay $0x1  }
0x8d: {  	v4 =	vmul.f32 @!p1 $1.442695020e+00, v4;
	_ =	sdelay $0x1  }
0x8e: {  	(erf) = vpow2.f32 @!p1 v4;
	_ =	sdelay $0x4  }
0x8f: {  	v4 =	vld.idx.msk @!p1 [tilespmem:v1+s0+$0x0 ss:$0x1], $0xffff;
	_ =	sdelay $0x1  }
0x90: {  	v5 =	vld.idx.msk @!p1 [tilespmem:v0+s0+$0x0 ss:$0x1], $0xffff;
	_ =	sdelay $0x1  }
0x91: {  	v6 =	vpop @!p2 (erf)  }
0x92: {  	v4 =	vmul.f32 @!p1 v6, v4;
	_ =	sdelay $0x1  }
0x93: {  	s16 =	simm.s32 $0x40;
	s17 =	sadd.s32 $0x1, s15;
	v4 =	vadd.f32 @!p1 v4, v5  }
.LBB2_8:
0x94: {  	p2 =	sgt.u32 s17, $0x270  }
0x95: {  	[tilespmem:v0+s0+$0x0 ss:$0x1] =	vst.idx.msk @!p1 $0xffff, v4;
	s0 =	sshra.s32 @!p2 s16, $0x2;
	s16 =	sadd.s32 $0x40, s16;
	p1 =	por p2, p2  }
0x96: {  	v4 =	vld @!p1 [tilespmem:s0+$0xA380];
	p3 =	sne.s32 s16, $0x500  }
0x97: {  	v5 =	vld @!p1 [tilespmem:s0+$0xA240];
	_ =	sdelay $0x4  }
0x98: {  	v4 =	vadd.f32 @!p1 v4, v5;
	_ =	sdelay $0x1  }
0x99: {  	v4 =	vsub.f32 @!p1 v4, v3;
	_ =	sdelay $0x1  }
0x9a: {  	v4 =	vmul.f32 @!p1 $1.442695020e+00, v4;
	_ =	sdelay $0x1  }
0x9b: {  	(erf) = vpow2.f32 @!p1 v4;
	_ =	sdelay $0x3  }
0x9c: {  	v4 =	vld.idx.msk @!p1 [tilespmem:v1+s0+$0x0 ss:$0x1], $0xffff;
	_ =	sdelay $0x1  }
0x9d: {  	v5 =	vld.idx.msk @!p1 [tilespmem:v0+s0+$0x0 ss:$0x1], $0xffff;
	_ =	sdelay $0x1  }
.Ltmp3:
0x9e: {  	(pc) =	sbr.rel @p3 .LBB2_8-.Ltmp3, $3  }
0x9f: {  	v6 =	vpop @!p2 (erf)  }
0xa0: {  	v4 =	vmul.f32 @!p1 v6, v4;
	_ =	sdelay $0x1  }
0xa1: {  	s17 =	sadd.s32 $0x1, s17;
	v4 =	vadd.f32 @!p1 v4, v5  }
0xa2: {  	_ =	sdelay $0x3  }
0xa3: {  	[tilespmem:v0+s0+$0x0 ss:$0x1] =	vst.idx.msk @!p1 $0xffff, v4  }
0xa4: {  	[spmem:s1] =	stream.indirect.scatter.add.f32 [tilespmem:s20], [sflag:$0x2], $0x10, s28, s26, $0xb8;
	[tilespmem:$0x11F40] =	vst v63  }
0xa5: {  	_ =	swait.ge [sflag:s29], $0x2800  }
0xa6: {  	[sflag:s29] =	ssyncset.done $0x0  }
0xa7: {  	[sflag:s29] =	ssyncadd.s32 $0xFFFFD800  }
0xa8: {  	[bflag:$0x0] =	sbarrier.arrive $0xFFFF  }
0xa9: {  	[tilespmem:s30], [sflag:$0x2] =	stream.linear.gather [spmem:s12], $0x280, $0x38;
	[tilespmem:$0x11F40] =	vst v63  }
0xaa: {  	s31 =	sadd.s32 $0x1, s31;
	_ =	swait.ge [sflag:s29], $0x280  }
0xab: {  	p1 =	sne.s32 s31, s14;
	[sflag:s29] =	ssyncset.done $0x0  }
.Ltmp4:
0xac: {  	[sflag:s29] =	ssyncadd.s32 $0xFFFFFD80;
	(pc) =	sbr.rel @p1 .LBB2_1-.Ltmp4, $4  }
0xad: {  	[hbm4b:s13+s2] =	stream.linear.scatter [tilespmem:s30], [sflag:$0x2], $0x280, $0x38;
	[tilespmem:$0x11F40] =	vst v63  }
0xae: {  	_ =	swait.ge [sflag:s29], $0x280  }
0xaf: {  	[sflag:s29] =	ssyncset.done $0x0  }
0xb0: {  	[sflag:s29] =	ssyncadd.s32 $0xFFFFFD80  }
0xb1: {  	_ =	sfence.sel $0x180000  }
0xb2: {  	[bflag:$0x0] =	sbarrier.arrive $0xFFFF  }
0xb3: {  	_ =	strace $0x9000004A  }
0xb4: {  	[bflag:$0x2] =	sbarrier.arrive $0xFFFF  }
0xb5: {  	s0 =	rddreg [dreg:$0x2]  }
0xb6: {  	s0 =	sadd.s32 @!p0 $0x100000, s0  }
0xb7: {  	[sflag:s0] =	ssyncadd.tile.s32 @!p0 $0x1;
	_ =	shalt  }
.Lfunc_end2:
_tile_overlayer_lowered:
.L_overlay_start_2:
0xb8: {  	(tag) =	ssettag $0x2  }
0xb9: {  	s0 =	rddreg [dreg:$0x0];
	s2 =	stileid.u32  }
0xba: {  	s1 =	rddreg [dreg:$0x1];
	p0 =	sne.s32 s2, $0x0  }
0xbb: {  	s3 =	rddreg [dreg:$0x2];
	[bflag:$0x3] =	sbarrier.arrive $0xFFFF;
	s2 =	simm.s32 @!p0 $0x1C02  }
0xbc: {  	[timem:s3], [sflag:s2] =	dma.local @!p0 [hbm:s0], s1  }
0xbd: {  	s0 =	simm.s32 @!p0 $0x2  }
0xbe: {  	_ =	swait.ge @!p0 [sflag:s0], s1  }
0xbf: {  	s1 =	ssub.s32 @!p0 $0x0, s1;
	[sflag:s0] =	ssyncset.done @!p0 $0x0  }
0xc0: {  	[sflag:s0] =	ssyncadd.s32 @!p0 s1  }
0xc1: {  	[bflag:$0x3] =	sbarrier.arrive $0xFFFF  }
0xc2: {  	_ =	shalt  }

</sc_bundles>
